<compile_context>
chip_gen: v7x
topology: tpu7x:2x2x1
jax: 0.10.2.dev20260603
libtpu: 0.0.44.dev20260713+nightly
codegen_flags: <defaults>
</compile_context>

<pallas_src>
import functools

import jax
import jax.numpy as jnp
from jax import lax
from jax.experimental import pallas as pl
from jax.experimental.pallas import tpu as pltpu
from jax.experimental.pallas import tpu_sc as plsc

_ALT_VALS = (150, 200, 250, 300)
_EMBED_D = 32
_BATCH = 16384
_LANES = 16
_NROWS = len(_ALT_VALS) + 1

_INFO = plsc.get_sparse_core_info()
_NC = _INFO.num_cores
_NS = _INFO.num_subcores
_NW = _NC * _NS
_BPW = _BATCH // _NW
_CHUNK = 128
_NCHUNK = _BPW // _CHUNK


def _sc_body(alt_hbm, table_hbm, out_hbm, alt_v, idx_v, table_v,
             rows_v, gsems, osem):
    sid = lax.axis_index("s")
    wid = sid * _NC + lax.axis_index("c")
    base = wid * _BPW

    pltpu.sync_copy(table_hbm, table_v.at[pl.ds(sid * _NROWS, _NROWS)])
    pltpu.sync_copy(alt_hbm.at[pl.ds(base, _BPW)], alt_v)

    def compute_and_fire_gather(j):
        for i in range(_CHUNK // _LANES):
            off = j * _CHUNK + i * _LANES
            a = alt_v[pl.ds(off, _LANES)]
            idx = jnp.where(a == _ALT_VALS[1], jnp.int32(1), jnp.int32(0))
            idx = jnp.where(a == _ALT_VALS[2], jnp.int32(2), idx)
            idx = jnp.where(a == _ALT_VALS[3], jnp.int32(3), idx)
            idx_v[pl.ds(off, _LANES)] = idx + sid * _NROWS
        return pltpu.async_copy(
            table_v.at[idx_v.at[pl.ds(j * _CHUNK, _CHUNK)]],
            rows_v.at[pl.ds(j * _CHUNK, _CHUNK)],
            gsems[j],
        )

    def fire_writeback(j):
        return pltpu.async_copy(
            rows_v.at[pl.ds(j * _CHUNK, _CHUNK)],
            out_hbm.at[pl.ds(base + j * _CHUNK, _CHUNK)],
            osem,
        )

    gathers = [compute_and_fire_gather(0), compute_and_fire_gather(1)]
    writebacks = []
    for j in range(_NCHUNK):
        gathers[j].wait()
        writebacks.append(fire_writeback(j))
        if j + 2 < _NCHUNK:
            gathers.append(compute_and_fire_gather(j + 2))
    for w in writebacks:
        w.wait()


_sc_lookup = functools.partial(
    pl.kernel,
    mesh=plsc.VectorSubcoreMesh(core_axis_name="c", subcore_axis_name="s"),
    compiler_params=pltpu.CompilerParams(
        skip_device_barrier=True,
        disable_bounds_checks=True,
        disable_semaphore_checks=True,
    ),
    out_type=jax.ShapeDtypeStruct((_BATCH, _EMBED_D), jnp.float32),
    scratch_types=[
        pltpu.VMEM((_BPW,), jnp.int32),
        pltpu.VMEM((_BPW,), jnp.int32),
        pltpu.VMEM_SHARED((_NS * _NROWS, _EMBED_D), jnp.float32),
        pltpu.VMEM((_BPW, _EMBED_D), jnp.float32),
        [pltpu.SemaphoreType.DMA] * _NCHUNK,
        pltpu.SemaphoreType.DMA,
    ],
)(_sc_body)


def kernel(altitudes, embeddings):
    return _sc_lookup(altitudes, embeddings)

# --- scband reference (transcript-rebuilt; emitter-appended) ---
"""Pipeline reference for scband-altitude-embedding-45672682226011 (READ-ONLY COPY).

The authoritative reference and input builder live on the scoring server;
editing this copy changes nothing except your own understanding.
"""

import jax, jax.numpy as jnp
import numpy as np

ALT_VALUES = [150, 200, 250, 300]
EMBED_DIM = 32
BATCH = 16384


def setup_inputs(seed: int = 0) -> dict:
    key = jax.random.key(seed)
    k1, k2 = jax.random.split(key)
    # altitudes: [B] int tensor of raw altitude values (in-range values hit the
    # lookup table; out-of-range values fall through to index 0, matching the
    # torch module's zeros_like initialization)
    altitudes = jax.random.randint(k1, (BATCH,), 0, 301, dtype=jnp.int32)
    # learned embedding table: len(alt_values) + 1 rows (last row = satellite default)
    embeddings = jax.random.normal(k2, (len(ALT_VALUES) + 1, EMBED_DIM), dtype=jnp.float32)
    return {"altitudes": altitudes, "embeddings": embeddings}


def reference(altitudes, embeddings):
    # Map raw altitude values -> table indices.
    # torch: indices = zeros_like(altitudes); indices[altitudes == alt_val] = alt_idx
    indices = jnp.zeros_like(altitudes)
    for alt_idx, alt_val in enumerate(ALT_VALUES):
        indices = jnp.where(altitudes == alt_val, jnp.int32(alt_idx), indices)
    # embedding lookup -> [B, embed_dim]
    return jnp.take(embeddings, indices, axis=0)

if __name__ == "__main__":
    import jax
    _d = setup_inputs()
    print(jax.jit(kernel)(*tuple(_d.values())))

</pallas_src>

<mosaic_0001>
#map = affine_map<(d0, d1) -> (0)>
#map1 = affine_map<(d0, d1) -> (0, 0)>
module attributes {stable_mosaic.version = 14 : i64} {
  func.func @_sc_body(%arg0: i32, %arg1: i32, %arg2: memref<16384xi32, #tpu.memory_space<hbm>>, %arg3: memref<5x32xf32, #tpu.memory_space<hbm>>, %arg4: memref<16384x32xf32, #tpu.memory_space<hbm>>, %arg5: memref<512xi32, #tpu.memory_space<vmem>>, %arg6: memref<512xi32, #tpu.memory_space<vmem>>, %arg7: memref<80x32xf32, #tpu.memory_space<vmem_shared>>, %arg8: memref<512x32xf32, #tpu.memory_space<vmem>>, %arg9: memref<!tpu.dma_semaphore, #tpu.memory_space<semaphore_mem>>, %arg10: memref<!tpu.dma_semaphore, #tpu.memory_space<semaphore_mem>>, %arg11: memref<!tpu.dma_semaphore, #tpu.memory_space<semaphore_mem>>, %arg12: memref<!tpu.dma_semaphore, #tpu.memory_space<semaphore_mem>>, %arg13: memref<!tpu.dma_semaphore, #tpu.memory_space<semaphore_mem>>) attributes {dimension_semantics = [#tpu.dimension_semantics<core_parallel>, #tpu.dimension_semantics<subcore_parallel>], iteration_bounds = array<i64: 2, 16>, scalar_prefetch = 0 : i64, scratch_operands = 9 : i64, tpu.core_type = #tpu.core_type<sc_vector_subcore>, window_params = [{transform_indices = #map}, {transform_indices = #map1}, {transform_indices = #map1}]} {
    %mul3A = arith.constant 2 : i32
    %mul3A_0 = arith.muli %arg1, %mul3A : i32
    %add3A = arith.addi %mul3A_0, %arg0 : i32
    %mul3A_1 = arith.constant 512 : i32
    %mul3A_2 = arith.muli %add3A, %mul3A_1 : i32
    %mul3A_3 = arith.constant 5 : i32
    %mul3A_4 = arith.muli %arg1, %mul3A_3 : i32
    "tpu.region"() ({
      %run_scoped3A = tpu.sem_alloc : memref<!tpu.dma_semaphore, #tpu.memory_space<semaphore_mem>>
      %dma_start3A_1141 = arith.constant 0 : i32
      %dma_start3A_1142 = tpu.memref_slice %arg7[%mul3A_4, %dma_start3A_1141] : memref<80x32xf32, #tpu.memory_space<vmem_shared>> -> memref<5x32xf32, #tpu.memory_space<vmem_shared>>
      tpu.enqueue_dma source(%arg3 : memref<5x32xf32, #tpu.memory_space<hbm>>) target(%dma_start3A_1142 : memref<5x32xf32, #tpu.memory_space<vmem_shared>>) target_semaphore(%run_scoped3A : memref<!tpu.dma_semaphore, #tpu.memory_space<semaphore_mem>>)
      %dma_wait3A_1143 = arith.constant 0 : i32
      %dma_wait3A_1144 = tpu.memref_slice %arg7[%mul3A_4, %dma_wait3A_1143] : memref<80x32xf32, #tpu.memory_space<vmem_shared>> -> memref<5x32xf32, #tpu.memory_space<vmem_shared>>
      tpu.wait_dma2 semaphore(%run_scoped3A : memref<!tpu.dma_semaphore, #tpu.memory_space<semaphore_mem>>) src(%arg3 : memref<5x32xf32, #tpu.memory_space<hbm>>) dst(%dma_wait3A_1144 : memref<5x32xf32, #tpu.memory_space<vmem_shared>>)
      tpu.yield
    }) : () -> ()
    "tpu.region"() ({
      %run_scoped3A = tpu.sem_alloc : memref<!tpu.dma_semaphore, #tpu.memory_space<semaphore_mem>>
      %dma_start3A_1141 = tpu.memref_slice %arg2[%mul3A_2] : memref<16384xi32, #tpu.memory_space<hbm>> -> memref<512xi32, #tpu.memory_space<hbm>>
      %dma_start3A_1142 = tpu.memref_slice %arg2[%mul3A_2] : memref<16384xi32, #tpu.memory_space<hbm>> -> memref<512xi32, #tpu.memory_space<hbm>>
      tpu.enqueue_dma source(%dma_start3A_1142 : memref<512xi32, #tpu.memory_space<hbm>>) target(%arg5 : memref<512xi32, #tpu.memory_space<vmem>>) target_semaphore(%run_scoped3A : memref<!tpu.dma_semaphore, #tpu.memory_space<semaphore_mem>>)
      %dma_wait3A_1143 = tpu.memref_slice %arg2[%mul3A_2] : memref<16384xi32, #tpu.memory_space<hbm>> -> memref<512xi32, #tpu.memory_space<hbm>>
      %dma_wait3A_1144 = tpu.memref_slice %arg2[%mul3A_2] : memref<16384xi32, #tpu.memory_space<hbm>> -> memref<512xi32, #tpu.memory_space<hbm>>
      tpu.wait_dma2 semaphore(%run_scoped3A : memref<!tpu.dma_semaphore, #tpu.memory_space<semaphore_mem>>) src(%dma_wait3A_1144 : memref<512xi32, #tpu.memory_space<hbm>>) dst(%arg5 : memref<512xi32, #tpu.memory_space<vmem>>)
      tpu.yield
    }) : () -> ()
    %get3A = arith.constant 0 : index
    %get3A_5 = tpu.vector_load %arg5[%get3A] {strides = array<i32>} : memref<512xi32, #tpu.memory_space<vmem>>, vector<16xi32>,
    %get3A_6 = vector.shape_cast %get3A_5 : vector<16xi32> to vector<16xi32>
    %eq3A = arith.constant 200 : i32
    %eq3A_7 = vector.broadcast %eq3A : i32 to vector<16xi32>
    %eq3A_8 = arith.cmpi eq, %get3A_6, %eq3A_7 : vector<16xi32>
    %jit3A = arith.constant 1 : i32
    %jit3A_9 = arith.constant 0 : i32
    %broadcast_in_dim3A = vector.broadcast %jit3A : i32 to vector<16xi32>
    %broadcast_in_dim3A_10 = vector.broadcast %jit3A_9 : i32 to vector<16xi32>
    %select_n3A = arith.select %eq3A_8, %broadcast_in_dim3A, %broadcast_in_dim3A_10 : vector<16xi1>, vector<16xi32>
    %eq3A_11 = arith.constant 250 : i32
    %eq3A_12 = vector.broadcast %eq3A_11 : i32 to vector<16xi32>
    %eq3A_13 = arith.cmpi eq, %get3A_6, %eq3A_12 : vector<16xi32>
    %jit3A_14 = arith.constant 2 : i32
    %broadcast_in_dim3A_15 = vector.broadcast %jit3A_14 : i32 to vector<16xi32>
    %select_n3A_16 = arith.select %eq3A_13, %broadcast_in_dim3A_15, %select_n3A : vector<16xi1>, vector<16xi32>
    %eq3A_17 = arith.constant 300 : i32
    %eq3A_18 = vector.broadcast %eq3A_17 : i32 to vector<16xi32>
    %eq3A_19 = arith.cmpi eq, %get3A_6, %eq3A_18 : vector<16xi32>
    %jit3A_20 = arith.constant 3 : i32
    %broadcast_in_dim3A_21 = vector.broadcast %jit3A_20 : i32 to vector<16xi32>
    %select_n3A_22 = arith.select %eq3A_19, %broadcast_in_dim3A_21, %select_n3A_16 : vector<16xi1>, vector<16xi32>
    %mul3A_23 = arith.constant 5 : i32
    %mul3A_24 = arith.muli %arg1, %mul3A_23 : i32
    %add3A_25 = vector.broadcast %mul3A_24 : i32 to vector<16xi32>
    %add3A_26 = arith.addi %select_n3A_22, %add3A_25 : vector<16xi32>
    %swap3A = arith.constant 0 : index
    %swap3A_27 = tpu.vector_load %arg6[%swap3A] {strides = array<i32>} : memref<512xi32, #tpu.memory_space<vmem>>, vector<16xi32>,
    %swap3A_28 = vector.shape_cast %swap3A_27 : vector<16xi32> to vector<16xi32>
    %swap3A_29 = vector.shape_cast %add3A_26 : vector<16xi32> to vector<16xi32>
    tpu.vector_store %arg6[%swap3A], %swap3A_29 {strides = array<i32>} : memref<512xi32, #tpu.memory_space<vmem>>, vector<16xi32>,
    %get3A_30 = arith.constant 16 : index
    %get3A_31 = tpu.vector_load %arg5[%get3A_30] {strides = array<i32>} : memref<512xi32, #tpu.memory_space<vmem>>, vector<16xi32>,
    %get3A_32 = vector.shape_cast %get3A_31 : vector<16xi32> to vector<16xi32>
    %eq3A_33 = arith.constant 200 : i32
    %eq3A_34 = vector.broadcast %eq3A_33 : i32 to vector<16xi32>
    %eq3A_35 = arith.cmpi eq, %get3A_32, %eq3A_34 : vector<16xi32>
    %jit3A_36 = arith.constant 1 : i32
    %jit3A_37 = arith.constant 0 : i32
    %broadcast_in_dim3A_38 = vector.broadcast %jit3A_36 : i32 to vector<16xi32>
    %broadcast_in_dim3A_39 = vector.broadcast %jit3A_37 : i32 to vector<16xi32>
    %select_n3A_40 = arith.select %eq3A_35, %broadcast_in_dim3A_38, %broadcast_in_dim3A_39 : vector<16xi1>, vector<16xi32>
    %eq3A_41 = arith.constant 250 : i32
    %eq3A_42 = vector.broadcast %eq3A_41 : i32 to vector<16xi32>
    %eq3A_43 = arith.cmpi eq, %get3A_32, %eq3A_42 : vector<16xi32>
    %jit3A_44 = arith.constant 2 : i32
    %broadcast_in_dim3A_45 = vector.broadcast %jit3A_44 : i32 to vector<16xi32>
    %select_n3A_46 = arith.select %eq3A_43, %broadcast_in_dim3A_45, %select_n3A_40 : vector<16xi1>, vector<16xi32>
    %eq3A_47 = arith.constant 300 : i32
    %eq3A_48 = vector.broadcast %eq3A_47 : i32 to vector<16xi32>
    %eq3A_49 = arith.cmpi eq, %get3A_32, %eq3A_48 : vector<16xi32>
    %jit3A_50 = arith.constant 3 : i32
    %broadcast_in_dim3A_51 = vector.broadcast %jit3A_50 : i32 to vector<16xi32>
    %select_n3A_52 = arith.select %eq3A_49, %broadcast_in_dim3A_51, %select_n3A_46 : vector<16xi1>, vector<16xi32>
    %mul3A_53 = arith.constant 5 : i32
    %mul3A_54 = arith.muli %arg1, %mul3A_53 : i32
    %add3A_55 = vector.broadcast %mul3A_54 : i32 to vector<16xi32>
    %add3A_56 = arith.addi %select_n3A_52, %add3A_55 : vector<16xi32>
    %swap3A_57 = arith.constant 16 : index
    %swap3A_58 = tpu.vector_load %arg6[%swap3A_57] {strides = array<i32>} : memref<512xi32, #tpu.memory_space<vmem>>, vector<16xi32>,
    %swap3A_59 = vector.shape_cast %swap3A_58 : vector<16xi32> to vector<16xi32>
    %swap3A_60 = vector.shape_cast %add3A_56 : vector<16xi32> to vector<16xi32>
    tpu.vector_store %arg6[%swap3A_57], %swap3A_60 {strides = array<i32>} : memref<512xi32, #tpu.memory_space<vmem>>, vector<16xi32>,
    %get3A_61 = arith.constant 32 : index
    %get3A_62 = tpu.vector_load %arg5[%get3A_61] {strides = array<i32>} : memref<512xi32, #tpu.memory_space<vmem>>, vector<16xi32>,
    %get3A_63 = vector.shape_cast %get3A_62 : vector<16xi32> to vector<16xi32>
    %eq3A_64 = arith.constant 200 : i32
    %eq3A_65 = vector.broadcast %eq3A_64 : i32 to vector<16xi32>
    %eq3A_66 = arith.cmpi eq, %get3A_63, %eq3A_65 : vector<16xi32>
    %jit3A_67 = arith.constant 1 : i32
    %jit3A_68 = arith.constant 0 : i32
    %broadcast_in_dim3A_69 = vector.broadcast %jit3A_67 : i32 to vector<16xi32>
    %broadcast_in_dim3A_70 = vector.broadcast %jit3A_68 : i32 to vector<16xi32>
    %select_n3A_71 = arith.select %eq3A_66, %broadcast_in_dim3A_69, %broadcast_in_dim3A_70 : vector<16xi1>, vector<16xi32>
    %eq3A_72 = arith.constant 250 : i32
    %eq3A_73 = vector.broadcast %eq3A_72 : i32 to vector<16xi32>
    %eq3A_74 = arith.cmpi eq, %get3A_63, %eq3A_73 : vector<16xi32>
    %jit3A_75 = arith.constant 2 : i32
    %broadcast_in_dim3A_76 = vector.broadcast %jit3A_75 : i32 to vector<16xi32>
    %select_n3A_77 = arith.select %eq3A_74, %broadcast_in_dim3A_76, %select_n3A_71 : vector<16xi1>, vector<16xi32>
    %eq3A_78 = arith.constant 300 : i32
    %eq3A_79 = vector.broadcast %eq3A_78 : i32 to vector<16xi32>
    %eq3A_80 = arith.cmpi eq, %get3A_63, %eq3A_79 : vector<16xi32>
    %jit3A_81 = arith.constant 3 : i32
    %broadcast_in_dim3A_82 = vector.broadcast %jit3A_81 : i32 to vector<16xi32>
    %select_n3A_83 = arith.select %eq3A_80, %broadcast_in_dim3A_82, %select_n3A_77 : vector<16xi1>, vector<16xi32>
    %mul3A_84 = arith.constant 5 : i32
    %mul3A_85 = arith.muli %arg1, %mul3A_84 : i32
    %add3A_86 = vector.broadcast %mul3A_85 : i32 to vector<16xi32>
    %add3A_87 = arith.addi %select_n3A_83, %add3A_86 : vector<16xi32>
    %swap3A_88 = arith.constant 32 : index
    %swap3A_89 = tpu.vector_load %arg6[%swap3A_88] {strides = array<i32>} : memref<512xi32, #tpu.memory_space<vmem>>, vector<16xi32>,
    %swap3A_90 = vector.shape_cast %swap3A_89 : vector<16xi32> to vector<16xi32>
    %swap3A_91 = vector.shape_cast %add3A_87 : vector<16xi32> to vector<16xi32>
    tpu.vector_store %arg6[%swap3A_88], %swap3A_91 {strides = array<i32>} : memref<512xi32, #tpu.memory_space<vmem>>, vector<16xi32>,
    %get3A_92 = arith.constant 48 : index
    %get3A_93 = tpu.vector_load %arg5[%get3A_92] {strides = array<i32>} : memref<512xi32, #tpu.memory_space<vmem>>, vector<16xi32>,
    %get3A_94 = vector.shape_cast %get3A_93 : vector<16xi32> to vector<16xi32>
    %eq3A_95 = arith.constant 200 : i32
    %eq3A_96 = vector.broadcast %eq3A_95 : i32 to vector<16xi32>
    %eq3A_97 = arith.cmpi eq, %get3A_94, %eq3A_96 : vector<16xi32>
    %jit3A_98 = arith.constant 1 : i32
    %jit3A_99 = arith.constant 0 : i32
    %broadcast_in_dim3A_100 = vector.broadcast %jit3A_98 : i32 to vector<16xi32>
    %broadcast_in_dim3A_101 = vector.broadcast %jit3A_99 : i32 to vector<16xi32>
    %select_n3A_102 = arith.select %eq3A_97, %broadcast_in_dim3A_100, %broadcast_in_dim3A_101 : vector<16xi1>, vector<16xi32>
    %eq3A_103 = arith.constant 250 : i32
    %eq3A_104 = vector.broadcast %eq3A_103 : i32 to vector<16xi32>
    %eq3A_105 = arith.cmpi eq, %get3A_94, %eq3A_104 : vector<16xi32>
    %jit3A_106 = arith.constant 2 : i32
    %broadcast_in_dim3A_107 = vector.broadcast %jit3A_106 : i32 to vector<16xi32>
    %select_n3A_108 = arith.select %eq3A_105, %broadcast_in_dim3A_107, %select_n3A_102 : vector<16xi1>, vector<16xi32>
    %eq3A_109 = arith.constant 300 : i32
    %eq3A_110 = vector.broadcast %eq3A_109 : i32 to vector<16xi32>
    %eq3A_111 = arith.cmpi eq, %get3A_94, %eq3A_110 : vector<16xi32>
    %jit3A_112 = arith.constant 3 : i32
    %broadcast_in_dim3A_113 = vector.broadcast %jit3A_112 : i32 to vector<16xi32>
    %select_n3A_114 = arith.select %eq3A_111, %broadcast_in_dim3A_113, %select_n3A_108 : vector<16xi1>, vector<16xi32>
    %mul3A_115 = arith.constant 5 : i32
    %mul3A_116 = arith.muli %arg1, %mul3A_115 : i32
    %add3A_117 = vector.broadcast %mul3A_116 : i32 to vector<16xi32>
    %add3A_118 = arith.addi %select_n3A_114, %add3A_117 : vector<16xi32>
    %swap3A_119 = arith.constant 48 : index
    %swap3A_120 = tpu.vector_load %arg6[%swap3A_119] {strides = array<i32>} : memref<512xi32, #tpu.memory_space<vmem>>, vector<16xi32>,
    %swap3A_121 = vector.shape_cast %swap3A_120 : vector<16xi32> to vector<16xi32>
    %swap3A_122 = vector.shape_cast %add3A_118 : vector<16xi32> to vector<16xi32>
    tpu.vector_store %arg6[%swap3A_119], %swap3A_122 {strides = array<i32>} : memref<512xi32, #tpu.memory_space<vmem>>, vector<16xi32>,
    %get3A_123 = arith.constant 64 : index
    %get3A_124 = tpu.vector_load %arg5[%get3A_123] {strides = array<i32>} : memref<512xi32, #tpu.memory_space<vmem>>, vector<16xi32>,
    %get3A_125 = vector.shape_cast %get3A_124 : vector<16xi32> to vector<16xi32>
    %eq3A_126 = arith.constant 200 : i32
    %eq3A_127 = vector.broadcast %eq3A_126 : i32 to vector<16xi32>
    %eq3A_128 = arith.cmpi eq, %get3A_125, %eq3A_127 : vector<16xi32>
    %jit3A_129 = arith.constant 1 : i32
    %jit3A_130 = arith.constant 0 : i32
    %broadcast_in_dim3A_131 = vector.broadcast %jit3A_129 : i32 to vector<16xi32>
    %broadcast_in_dim3A_132 = vector.broadcast %jit3A_130 : i32 to vector<16xi32>
    %select_n3A_133 = arith.select %eq3A_128, %broadcast_in_dim3A_131, %broadcast_in_dim3A_132 : vector<16xi1>, vector<16xi32>
    %eq3A_134 = arith.constant 250 : i32
    %eq3A_135 = vector.broadcast %eq3A_134 : i32 to vector<16xi32>
    %eq3A_136 = arith.cmpi eq, %get3A_125, %eq3A_135 : vector<16xi32>
    %jit3A_137 = arith.constant 2 : i32
    %broadcast_in_dim3A_138 = vector.broadcast %jit3A_137 : i32 to vector<16xi32>
    %select_n3A_139 = arith.select %eq3A_136, %broadcast_in_dim3A_138, %select_n3A_133 : vector<16xi1>, vector<16xi32>
    %eq3A_140 = arith.constant 300 : i32
    %eq3A_141 = vector.broadcast %eq3A_140 : i32 to vector<16xi32>
    %eq3A_142 = arith.cmpi eq, %get3A_125, %eq3A_141 : vector<16xi32>
    %jit3A_143 = arith.constant 3 : i32
    %broadcast_in_dim3A_144 = vector.broadcast %jit3A_143 : i32 to vector<16xi32>
    %select_n3A_145 = arith.select %eq3A_142, %broadcast_in_dim3A_144, %select_n3A_139 : vector<16xi1>, vector<16xi32>
    %mul3A_146 = arith.constant 5 : i32
    %mul3A_147 = arith.muli %arg1, %mul3A_146 : i32
    %add3A_148 = vector.broadcast %mul3A_147 : i32 to vector<16xi32>
    %add3A_149 = arith.addi %select_n3A_145, %add3A_148 : vector<16xi32>
    %swap3A_150 = arith.constant 64 : index
    %swap3A_151 = tpu.vector_load %arg6[%swap3A_150] {strides = array<i32>} : memref<512xi32, #tpu.memory_space<vmem>>, vector<16xi32>,
    %swap3A_152 = vector.shape_cast %swap3A_151 : vector<16xi32> to vector<16xi32>
    %swap3A_153 = vector.shape_cast %add3A_149 : vector<16xi32> to vector<16xi32>
    tpu.vector_store %arg6[%swap3A_150], %swap3A_153 {strides = array<i32>} : memref<512xi32, #tpu.memory_space<vmem>>, vector<16xi32>,
    %get3A_154 = arith.constant 80 : index
    %get3A_155 = tpu.vector_load %arg5[%get3A_154] {strides = array<i32>} : memref<512xi32, #tpu.memory_space<vmem>>, vector<16xi32>,
    %get3A_156 = vector.shape_cast %get3A_155 : vector<16xi32> to vector<16xi32>
    %eq3A_157 = arith.constant 200 : i32
    %eq3A_158 = vector.broadcast %eq3A_157 : i32 to vector<16xi32>
    %eq3A_159 = arith.cmpi eq, %get3A_156, %eq3A_158 : vector<16xi32>
    %jit3A_160 = arith.constant 1 : i32
    %jit3A_161 = arith.constant 0 : i32
    %broadcast_in_dim3A_162 = vector.broadcast %jit3A_160 : i32 to vector<16xi32>
    %broadcast_in_dim3A_163 = vector.broadcast %jit3A_161 : i32 to vector<16xi32>
    %select_n3A_164 = arith.select %eq3A_159, %broadcast_in_dim3A_162, %broadcast_in_dim3A_163 : vector<16xi1>, vector<16xi32>
    %eq3A_165 = arith.constant 250 : i32
    %eq3A_166 = vector.broadcast %eq3A_165 : i32 to vector<16xi32>
    %eq3A_167 = arith.cmpi eq, %get3A_156, %eq3A_166 : vector<16xi32>
    %jit3A_168 = arith.constant 2 : i32
    %broadcast_in_dim3A_169 = vector.broadcast %jit3A_168 : i32 to vector<16xi32>
    %select_n3A_170 = arith.select %eq3A_167, %broadcast_in_dim3A_169, %select_n3A_164 : vector<16xi1>, vector<16xi32>
    %eq3A_171 = arith.constant 300 : i32
    %eq3A_172 = vector.broadcast %eq3A_171 : i32 to vector<16xi32>
    %eq3A_173 = arith.cmpi eq, %get3A_156, %eq3A_172 : vector<16xi32>
    %jit3A_174 = arith.constant 3 : i32
    %broadcast_in_dim3A_175 = vector.broadcast %jit3A_174 : i32 to vector<16xi32>
    %select_n3A_176 = arith.select %eq3A_173, %broadcast_in_dim3A_175, %select_n3A_170 : vector<16xi1>, vector<16xi32>
    %mul3A_177 = arith.constant 5 : i32
    %mul3A_178 = arith.muli %arg1, %mul3A_177 : i32
    %add3A_179 = vector.broadcast %mul3A_178 : i32 to vector<16xi32>
    %add3A_180 = arith.addi %select_n3A_176, %add3A_179 : vector<16xi32>
    %swap3A_181 = arith.constant 80 : index
    %swap3A_182 = tpu.vector_load %arg6[%swap3A_181] {strides = array<i32>} : memref<512xi32, #tpu.memory_space<vmem>>, vector<16xi32>,
    %swap3A_183 = vector.shape_cast %swap3A_182 : vector<16xi32> to vector<16xi32>
    %swap3A_184 = vector.shape_cast %add3A_180 : vector<16xi32> to vector<16xi32>
    tpu.vector_store %arg6[%swap3A_181], %swap3A_184 {strides = array<i32>} : memref<512xi32, #tpu.memory_space<vmem>>, vector<16xi32>,
    %get3A_185 = arith.constant 96 : index
    %get3A_186 = tpu.vector_load %arg5[%get3A_185] {strides = array<i32>} : memref<512xi32, #tpu.memory_space<vmem>>, vector<16xi32>,
    %get3A_187 = vector.shape_cast %get3A_186 : vector<16xi32> to vector<16xi32>
    %eq3A_188 = arith.constant 200 : i32
    %eq3A_189 = vector.broadcast %eq3A_188 : i32 to vector<16xi32>
    %eq3A_190 = arith.cmpi eq, %get3A_187, %eq3A_189 : vector<16xi32>
    %jit3A_191 = arith.constant 1 : i32
    %jit3A_192 = arith.constant 0 : i32
    %broadcast_in_dim3A_193 = vector.broadcast %jit3A_191 : i32 to vector<16xi32>
    %broadcast_in_dim3A_194 = vector.broadcast %jit3A_192 : i32 to vector<16xi32>
    %select_n3A_195 = arith.select %eq3A_190, %broadcast_in_dim3A_193, %broadcast_in_dim3A_194 : vector<16xi1>, vector<16xi32>
    %eq3A_196 = arith.constant 250 : i32
    %eq3A_197 = vector.broadcast %eq3A_196 : i32 to vector<16xi32>
    %eq3A_198 = arith.cmpi eq, %get3A_187, %eq3A_197 : vector<16xi32>
    %jit3A_199 = arith.constant 2 : i32
    %broadcast_in_dim3A_200 = vector.broadcast %jit3A_199 : i32 to vector<16xi32>
    %select_n3A_201 = arith.select %eq3A_198, %broadcast_in_dim3A_200, %select_n3A_195 : vector<16xi1>, vector<16xi32>
    %eq3A_202 = arith.constant 300 : i32
    %eq3A_203 = vector.broadcast %eq3A_202 : i32 to vector<16xi32>
    %eq3A_204 = arith.cmpi eq, %get3A_187, %eq3A_203 : vector<16xi32>
    %jit3A_205 = arith.constant 3 : i32
    %broadcast_in_dim3A_206 = vector.broadcast %jit3A_205 : i32 to vector<16xi32>
    %select_n3A_207 = arith.select %eq3A_204, %broadcast_in_dim3A_206, %select_n3A_201 : vector<16xi1>, vector<16xi32>
    %mul3A_208 = arith.constant 5 : i32
    %mul3A_209 = arith.muli %arg1, %mul3A_208 : i32
    %add3A_210 = vector.broadcast %mul3A_209 : i32 to vector<16xi32>
    %add3A_211 = arith.addi %select_n3A_207, %add3A_210 : vector<16xi32>
    %swap3A_212 = arith.constant 96 : index
    %swap3A_213 = tpu.vector_load %arg6[%swap3A_212] {strides = array<i32>} : memref<512xi32, #tpu.memory_space<vmem>>, vector<16xi32>,
    %swap3A_214 = vector.shape_cast %swap3A_213 : vector<16xi32> to vector<16xi32>
    %swap3A_215 = vector.shape_cast %add3A_211 : vector<16xi32> to vector<16xi32>
    tpu.vector_store %arg6[%swap3A_212], %swap3A_215 {strides = array<i32>} : memref<512xi32, #tpu.memory_space<vmem>>, vector<16xi32>,
    %get3A_216 = arith.constant 112 : index
    %get3A_217 = tpu.vector_load %arg5[%get3A_216] {strides = array<i32>} : memref<512xi32, #tpu.memory_space<vmem>>, vector<16xi32>,
    %get3A_218 = vector.shape_cast %get3A_217 : vector<16xi32> to vector<16xi32>
    %eq3A_219 = arith.constant 200 : i32
    %eq3A_220 = vector.broadcast %eq3A_219 : i32 to vector<16xi32>
    %eq3A_221 = arith.cmpi eq, %get3A_218, %eq3A_220 : vector<16xi32>
    %jit3A_222 = arith.constant 1 : i32
    %jit3A_223 = arith.constant 0 : i32
    %broadcast_in_dim3A_224 = vector.broadcast %jit3A_222 : i32 to vector<16xi32>
    %broadcast_in_dim3A_225 = vector.broadcast %jit3A_223 : i32 to vector<16xi32>
    %select_n3A_226 = arith.select %eq3A_221, %broadcast_in_dim3A_224, %broadcast_in_dim3A_225 : vector<16xi1>, vector<16xi32>
    %eq3A_227 = arith.constant 250 : i32
    %eq3A_228 = vector.broadcast %eq3A_227 : i32 to vector<16xi32>
    %eq3A_229 = arith.cmpi eq, %get3A_218, %eq3A_228 : vector<16xi32>
    %jit3A_230 = arith.constant 2 : i32
    %broadcast_in_dim3A_231 = vector.broadcast %jit3A_230 : i32 to vector<16xi32>
    %select_n3A_232 = arith.select %eq3A_229, %broadcast_in_dim3A_231, %select_n3A_226 : vector<16xi1>, vector<16xi32>
    %eq3A_233 = arith.constant 300 : i32
    %eq3A_234 = vector.broadcast %eq3A_233 : i32 to vector<16xi32>
    %eq3A_235 = arith.cmpi eq, %get3A_218, %eq3A_234 : vector<16xi32>
    %jit3A_236 = arith.constant 3 : i32
    %broadcast_in_dim3A_237 = vector.broadcast %jit3A_236 : i32 to vector<16xi32>
    %select_n3A_238 = arith.select %eq3A_235, %broadcast_in_dim3A_237, %select_n3A_232 : vector<16xi1>, vector<16xi32>
    %mul3A_239 = arith.constant 5 : i32
    %mul3A_240 = arith.muli %arg1, %mul3A_239 : i32
    %add3A_241 = vector.broadcast %mul3A_240 : i32 to vector<16xi32>
    %add3A_242 = arith.addi %select_n3A_238, %add3A_241 : vector<16xi32>
    %swap3A_243 = arith.constant 112 : index
    %swap3A_244 = tpu.vector_load %arg6[%swap3A_243] {strides = array<i32>} : memref<512xi32, #tpu.memory_space<vmem>>, vector<16xi32>,
    %swap3A_245 = vector.shape_cast %swap3A_244 : vector<16xi32> to vector<16xi32>
    %swap3A_246 = vector.shape_cast %add3A_242 : vector<16xi32> to vector<16xi32>
    tpu.vector_store %arg6[%swap3A_243], %swap3A_246 {strides = array<i32>} : memref<512xi32, #tpu.memory_space<vmem>>, vector<16xi32>,
    %dma_start3A = arith.constant 0 : i32
    %dma_start3A_247 = arith.constant 0 : i32
    %dma_start3A_248 = tpu.memref_slice %arg8[%dma_start3A, %dma_start3A_247] : memref<512x32xf32, #tpu.memory_space<vmem>> -> memref<128x32xf32, #tpu.memory_space<vmem>>
    %dma_start3A_249 = arith.constant 0 : i32
    %dma_start3A_250 = tpu.memref_slice %arg6[%dma_start3A_249] : memref<512xi32, #tpu.memory_space<vmem>> -> memref<128xi32, #tpu.memory_space<vmem>>
    %dma_start3A_251 = arith.constant 0 : i32
    %dma_start3A_252 = arith.constant 0 : i32
    %dma_start3A_253 = tpu.memref_slice %arg7[%dma_start3A_251, %dma_start3A_252] : memref<80x32xf32, #tpu.memory_space<vmem_shared>> -> memref<80x32xf32, #tpu.memory_space<vmem_shared>>
    tpu.enqueue_indirect_dma source(%dma_start3A_253 : memref<80x32xf32, #tpu.memory_space<vmem_shared>>) target(%dma_start3A_248 : memref<128x32xf32, #tpu.memory_space<vmem>>) offsets(%dma_start3A_250 : memref<128xi32, #tpu.memory_space<vmem>>) semaphore(%arg9 : memref<!tpu.dma_semaphore, #tpu.memory_space<semaphore_mem>>)
    %get3A_254 = arith.constant 128 : index
    %get3A_255 = tpu.vector_load %arg5[%get3A_254] {strides = array<i32>} : memref<512xi32, #tpu.memory_space<vmem>>, vector<16xi32>,
    %get3A_256 = vector.shape_cast %get3A_255 : vector<16xi32> to vector<16xi32>
    %eq3A_257 = arith.constant 200 : i32
    %eq3A_258 = vector.broadcast %eq3A_257 : i32 to vector<16xi32>
    %eq3A_259 = arith.cmpi eq, %get3A_256, %eq3A_258 : vector<16xi32>
    %jit3A_260 = arith.constant 1 : i32
    %jit3A_261 = arith.constant 0 : i32
    %broadcast_in_dim3A_262 = vector.broadcast %jit3A_260 : i32 to vector<16xi32>
    %broadcast_in_dim3A_263 = vector.broadcast %jit3A_261 : i32 to vector<16xi32>
    %select_n3A_264 = arith.select %eq3A_259, %broadcast_in_dim3A_262, %broadcast_in_dim3A_263 : vector<16xi1>, vector<16xi32>
    %eq3A_265 = arith.constant 250 : i32
    %eq3A_266 = vector.broadcast %eq3A_265 : i32 to vector<16xi32>
    %eq3A_267 = arith.cmpi eq, %get3A_256, %eq3A_266 : vector<16xi32>
    %jit3A_268 = arith.constant 2 : i32
    %broadcast_in_dim3A_269 = vector.broadcast %jit3A_268 : i32 to vector<16xi32>
    %select_n3A_270 = arith.select %eq3A_267, %broadcast_in_dim3A_269, %select_n3A_264 : vector<16xi1>, vector<16xi32>
    %eq3A_271 = arith.constant 300 : i32
    %eq3A_272 = vector.broadcast %eq3A_271 : i32 to vector<16xi32>
    %eq3A_273 = arith.cmpi eq, %get3A_256, %eq3A_272 : vector<16xi32>
    %jit3A_274 = arith.constant 3 : i32
    %broadcast_in_dim3A_275 = vector.broadcast %jit3A_274 : i32 to vector<16xi32>
    %select_n3A_276 = arith.select %eq3A_273, %broadcast_in_dim3A_275, %select_n3A_270 : vector<16xi1>, vector<16xi32>
    %mul3A_277 = arith.constant 5 : i32
    %mul3A_278 = arith.muli %arg1, %mul3A_277 : i32
    %add3A_279 = vector.broadcast %mul3A_278 : i32 to vector<16xi32>
    %add3A_280 = arith.addi %select_n3A_276, %add3A_279 : vector<16xi32>
    %swap3A_281 = arith.constant 128 : index
    %swap3A_282 = tpu.vector_load %arg6[%swap3A_281] {strides = array<i32>} : memref<512xi32, #tpu.memory_space<vmem>>, vector<16xi32>,
    %swap3A_283 = vector.shape_cast %swap3A_282 : vector<16xi32> to vector<16xi32>
    %swap3A_284 = vector.shape_cast %add3A_280 : vector<16xi32> to vector<16xi32>
    tpu.vector_store %arg6[%swap3A_281], %swap3A_284 {strides = array<i32>} : memref<512xi32, #tpu.memory_space<vmem>>, vector<16xi32>,
    %get3A_285 = arith.constant 144 : index
    %get3A_286 = tpu.vector_load %arg5[%get3A_285] {strides = array<i32>} : memref<512xi32, #tpu.memory_space<vmem>>, vector<16xi32>,
    %get3A_287 = vector.shape_cast %get3A_286 : vector<16xi32> to vector<16xi32>
    %eq3A_288 = arith.constant 200 : i32
    %eq3A_289 = vector.broadcast %eq3A_288 : i32 to vector<16xi32>
    %eq3A_290 = arith.cmpi eq, %get3A_287, %eq3A_289 : vector<16xi32>
    %jit3A_291 = arith.constant 1 : i32
    %jit3A_292 = arith.constant 0 : i32
    %broadcast_in_dim3A_293 = vector.broadcast %jit3A_291 : i32 to vector<16xi32>
    %broadcast_in_dim3A_294 = vector.broadcast %jit3A_292 : i32 to vector<16xi32>
    %select_n3A_295 = arith.select %eq3A_290, %broadcast_in_dim3A_293, %broadcast_in_dim3A_294 : vector<16xi1>, vector<16xi32>
    %eq3A_296 = arith.constant 250 : i32
    %eq3A_297 = vector.broadcast %eq3A_296 : i32 to vector<16xi32>
    %eq3A_298 = arith.cmpi eq, %get3A_287, %eq3A_297 : vector<16xi32>
    %jit3A_299 = arith.constant 2 : i32
    %broadcast_in_dim3A_300 = vector.broadcast %jit3A_299 : i32 to vector<16xi32>
    %select_n3A_301 = arith.select %eq3A_298, %broadcast_in_dim3A_300, %select_n3A_295 : vector<16xi1>, vector<16xi32>
    %eq3A_302 = arith.constant 300 : i32
    %eq3A_303 = vector.broadcast %eq3A_302 : i32 to vector<16xi32>
    %eq3A_304 = arith.cmpi eq, %get3A_287, %eq3A_303 : vector<16xi32>
    %jit3A_305 = arith.constant 3 : i32
    %broadcast_in_dim3A_306 = vector.broadcast %jit3A_305 : i32 to vector<16xi32>
    %select_n3A_307 = arith.select %eq3A_304, %broadcast_in_dim3A_306, %select_n3A_301 : vector<16xi1>, vector<16xi32>
    %mul3A_308 = arith.constant 5 : i32
    %mul3A_309 = arith.muli %arg1, %mul3A_308 : i32
    %add3A_310 = vector.broadcast %mul3A_309 : i32 to vector<16xi32>
    %add3A_311 = arith.addi %select_n3A_307, %add3A_310 : vector<16xi32>
    %swap3A_312 = arith.constant 144 : index
    %swap3A_313 = tpu.vector_load %arg6[%swap3A_312] {strides = array<i32>} : memref<512xi32, #tpu.memory_space<vmem>>, vector<16xi32>,
    %swap3A_314 = vector.shape_cast %swap3A_313 : vector<16xi32> to vector<16xi32>
    %swap3A_315 = vector.shape_cast %add3A_311 : vector<16xi32> to vector<16xi32>
    tpu.vector_store %arg6[%swap3A_312], %swap3A_315 {strides = array<i32>} : memref<512xi32, #tpu.memory_space<vmem>>, vector<16xi32>,
    %get3A_316 = arith.constant 160 : index
    %get3A_317 = tpu.vector_load %arg5[%get3A_316] {strides = array<i32>} : memref<512xi32, #tpu.memory_space<vmem>>, vector<16xi32>,
    %get3A_318 = vector.shape_cast %get3A_317 : vector<16xi32> to vector<16xi32>
    %eq3A_319 = arith.constant 200 : i32
    %eq3A_320 = vector.broadcast %eq3A_319 : i32 to vector<16xi32>
    %eq3A_321 = arith.cmpi eq, %get3A_318, %eq3A_320 : vector<16xi32>
    %jit3A_322 = arith.constant 1 : i32
    %jit3A_323 = arith.constant 0 : i32
    %broadcast_in_dim3A_324 = vector.broadcast %jit3A_322 : i32 to vector<16xi32>
    %broadcast_in_dim3A_325 = vector.broadcast %jit3A_323 : i32 to vector<16xi32>
    %select_n3A_326 = arith.select %eq3A_321, %broadcast_in_dim3A_324, %broadcast_in_dim3A_325 : vector<16xi1>, vector<16xi32>
    %eq3A_327 = arith.constant 250 : i32
    %eq3A_328 = vector.broadcast %eq3A_327 : i32 to vector<16xi32>
    %eq3A_329 = arith.cmpi eq, %get3A_318, %eq3A_328 : vector<16xi32>
    %jit3A_330 = arith.constant 2 : i32
    %broadcast_in_dim3A_331 = vector.broadcast %jit3A_330 : i32 to vector<16xi32>
    %select_n3A_332 = arith.select %eq3A_329, %broadcast_in_dim3A_331, %select_n3A_326 : vector<16xi1>, vector<16xi32>
    %eq3A_333 = arith.constant 300 : i32
    %eq3A_334 = vector.broadcast %eq3A_333 : i32 to vector<16xi32>
    %eq3A_335 = arith.cmpi eq, %get3A_318, %eq3A_334 : vector<16xi32>
    %jit3A_336 = arith.constant 3 : i32
    %broadcast_in_dim3A_337 = vector.broadcast %jit3A_336 : i32 to vector<16xi32>
    %select_n3A_338 = arith.select %eq3A_335, %broadcast_in_dim3A_337, %select_n3A_332 : vector<16xi1>, vector<16xi32>
    %mul3A_339 = arith.constant 5 : i32
    %mul3A_340 = arith.muli %arg1, %mul3A_339 : i32
    %add3A_341 = vector.broadcast %mul3A_340 : i32 to vector<16xi32>
    %add3A_342 = arith.addi %select_n3A_338, %add3A_341 : vector<16xi32>
    %swap3A_343 = arith.constant 160 : index
    %swap3A_344 = tpu.vector_load %arg6[%swap3A_343] {strides = array<i32>} : memref<512xi32, #tpu.memory_space<vmem>>, vector<16xi32>,
    %swap3A_345 = vector.shape_cast %swap3A_344 : vector<16xi32> to vector<16xi32>
    %swap3A_346 = vector.shape_cast %add3A_342 : vector<16xi32> to vector<16xi32>
    tpu.vector_store %arg6[%swap3A_343], %swap3A_346 {strides = array<i32>} : memref<512xi32, #tpu.memory_space<vmem>>, vector<16xi32>,
    %get3A_347 = arith.constant 176 : index
    %get3A_348 = tpu.vector_load %arg5[%get3A_347] {strides = array<i32>} : memref<512xi32, #tpu.memory_space<vmem>>, vector<16xi32>,
    %get3A_349 = vector.shape_cast %get3A_348 : vector<16xi32> to vector<16xi32>
    %eq3A_350 = arith.constant 200 : i32
    %eq3A_351 = vector.broadcast %eq3A_350 : i32 to vector<16xi32>
    %eq3A_352 = arith.cmpi eq, %get3A_349, %eq3A_351 : vector<16xi32>
    %jit3A_353 = arith.constant 1 : i32
    %jit3A_354 = arith.constant 0 : i32
    %broadcast_in_dim3A_355 = vector.broadcast %jit3A_353 : i32 to vector<16xi32>
    %broadcast_in_dim3A_356 = vector.broadcast %jit3A_354 : i32 to vector<16xi32>
    %select_n3A_357 = arith.select %eq3A_352, %broadcast_in_dim3A_355, %broadcast_in_dim3A_356 : vector<16xi1>, vector<16xi32>
    %eq3A_358 = arith.constant 250 : i32
    %eq3A_359 = vector.broadcast %eq3A_358 : i32 to vector<16xi32>
    %eq3A_360 = arith.cmpi eq, %get3A_349, %eq3A_359 : vector<16xi32>
    %jit3A_361 = arith.constant 2 : i32
    %broadcast_in_dim3A_362 = vector.broadcast %jit3A_361 : i32 to vector<16xi32>
    %select_n3A_363 = arith.select %eq3A_360, %broadcast_in_dim3A_362, %select_n3A_357 : vector<16xi1>, vector<16xi32>
    %eq3A_364 = arith.constant 300 : i32
    %eq3A_365 = vector.broadcast %eq3A_364 : i32 to vector<16xi32>
    %eq3A_366 = arith.cmpi eq, %get3A_349, %eq3A_365 : vector<16xi32>
    %jit3A_367 = arith.constant 3 : i32
    %broadcast_in_dim3A_368 = vector.broadcast %jit3A_367 : i32 to vector<16xi32>
    %select_n3A_369 = arith.select %eq3A_366, %broadcast_in_dim3A_368, %select_n3A_363 : vector<16xi1>, vector<16xi32>
    %mul3A_370 = arith.constant 5 : i32
    %mul3A_371 = arith.muli %arg1, %mul3A_370 : i32
    %add3A_372 = vector.broadcast %mul3A_371 : i32 to vector<16xi32>
    %add3A_373 = arith.addi %select_n3A_369, %add3A_372 : vector<16xi32>
    %swap3A_374 = arith.constant 176 : index
    %swap3A_375 = tpu.vector_load %arg6[%swap3A_374] {strides = array<i32>} : memref<512xi32, #tpu.memory_space<vmem>>, vector<16xi32>,
    %swap3A_376 = vector.shape_cast %swap3A_375 : vector<16xi32> to vector<16xi32>
    %swap3A_377 = vector.shape_cast %add3A_373 : vector<16xi32> to vector<16xi32>
    tpu.vector_store %arg6[%swap3A_374], %swap3A_377 {strides = array<i32>} : memref<512xi32, #tpu.memory_space<vmem>>, vector<16xi32>,
    %get3A_378 = arith.constant 192 : index
    %get3A_379 = tpu.vector_load %arg5[%get3A_378] {strides = array<i32>} : memref<512xi32, #tpu.memory_space<vmem>>, vector<16xi32>,
    %get3A_380 = vector.shape_cast %get3A_379 : vector<16xi32> to vector<16xi32>
    %eq3A_381 = arith.constant 200 : i32
    %eq3A_382 = vector.broadcast %eq3A_381 : i32 to vector<16xi32>
    %eq3A_383 = arith.cmpi eq, %get3A_380, %eq3A_382 : vector<16xi32>
    %jit3A_384 = arith.constant 1 : i32
    %jit3A_385 = arith.constant 0 : i32
    %broadcast_in_dim3A_386 = vector.broadcast %jit3A_384 : i32 to vector<16xi32>
    %broadcast_in_dim3A_387 = vector.broadcast %jit3A_385 : i32 to vector<16xi32>
    %select_n3A_388 = arith.select %eq3A_383, %broadcast_in_dim3A_386, %broadcast_in_dim3A_387 : vector<16xi1>, vector<16xi32>
    %eq3A_389 = arith.constant 250 : i32
    %eq3A_390 = vector.broadcast %eq3A_389 : i32 to vector<16xi32>
    %eq3A_391 = arith.cmpi eq, %get3A_380, %eq3A_390 : vector<16xi32>
    %jit3A_392 = arith.constant 2 : i32
    %broadcast_in_dim3A_393 = vector.broadcast %jit3A_392 : i32 to vector<16xi32>
    %select_n3A_394 = arith.select %eq3A_391, %broadcast_in_dim3A_393, %select_n3A_388 : vector<16xi1>, vector<16xi32>
    %eq3A_395 = arith.constant 300 : i32
    %eq3A_396 = vector.broadcast %eq3A_395 : i32 to vector<16xi32>
    %eq3A_397 = arith.cmpi eq, %get3A_380, %eq3A_396 : vector<16xi32>
    %jit3A_398 = arith.constant 3 : i32
    %broadcast_in_dim3A_399 = vector.broadcast %jit3A_398 : i32 to vector<16xi32>
    %select_n3A_400 = arith.select %eq3A_397, %broadcast_in_dim3A_399, %select_n3A_394 : vector<16xi1>, vector<16xi32>
    %mul3A_401 = arith.constant 5 : i32
    %mul3A_402 = arith.muli %arg1, %mul3A_401 : i32
    %add3A_403 = vector.broadcast %mul3A_402 : i32 to vector<16xi32>
    %add3A_404 = arith.addi %select_n3A_400, %add3A_403 : vector<16xi32>
    %swap3A_405 = arith.constant 192 : index
    %swap3A_406 = tpu.vector_load %arg6[%swap3A_405] {strides = array<i32>} : memref<512xi32, #tpu.memory_space<vmem>>, vector<16xi32>,
    %swap3A_407 = vector.shape_cast %swap3A_406 : vector<16xi32> to vector<16xi32>
    %swap3A_408 = vector.shape_cast %add3A_404 : vector<16xi32> to vector<16xi32>
    tpu.vector_store %arg6[%swap3A_405], %swap3A_408 {strides = array<i32>} : memref<512xi32, #tpu.memory_space<vmem>>, vector<16xi32>,
    %get3A_409 = arith.constant 208 : index
    %get3A_410 = tpu.vector_load %arg5[%get3A_409] {strides = array<i32>} : memref<512xi32, #tpu.memory_space<vmem>>, vector<16xi32>,
    %get3A_411 = vector.shape_cast %get3A_410 : vector<16xi32> to vector<16xi32>
    %eq3A_412 = arith.constant 200 : i32
    %eq3A_413 = vector.broadcast %eq3A_412 : i32 to vector<16xi32>
    %eq3A_414 = arith.cmpi eq, %get3A_411, %eq3A_413 : vector<16xi32>
    %jit3A_415 = arith.constant 1 : i32
    %jit3A_416 = arith.constant 0 : i32
    %broadcast_in_dim3A_417 = vector.broadcast %jit3A_415 : i32 to vector<16xi32>
    %broadcast_in_dim3A_418 = vector.broadcast %jit3A_416 : i32 to vector<16xi32>
    %select_n3A_419 = arith.select %eq3A_414, %broadcast_in_dim3A_417, %broadcast_in_dim3A_418 : vector<16xi1>, vector<16xi32>
    %eq3A_420 = arith.constant 250 : i32
    %eq3A_421 = vector.broadcast %eq3A_420 : i32 to vector<16xi32>
    %eq3A_422 = arith.cmpi eq, %get3A_411, %eq3A_421 : vector<16xi32>
    %jit3A_423 = arith.constant 2 : i32
    %broadcast_in_dim3A_424 = vector.broadcast %jit3A_423 : i32 to vector<16xi32>
    %select_n3A_425 = arith.select %eq3A_422, %broadcast_in_dim3A_424, %select_n3A_419 : vector<16xi1>, vector<16xi32>
    %eq3A_426 = arith.constant 300 : i32
    %eq3A_427 = vector.broadcast %eq3A_426 : i32 to vector<16xi32>
    %eq3A_428 = arith.cmpi eq, %get3A_411, %eq3A_427 : vector<16xi32>
    %jit3A_429 = arith.constant 3 : i32
    %broadcast_in_dim3A_430 = vector.broadcast %jit3A_429 : i32 to vector<16xi32>
    %select_n3A_431 = arith.select %eq3A_428, %broadcast_in_dim3A_430, %select_n3A_425 : vector<16xi1>, vector<16xi32>
    %mul3A_432 = arith.constant 5 : i32
    %mul3A_433 = arith.muli %arg1, %mul3A_432 : i32
    %add3A_434 = vector.broadcast %mul3A_433 : i32 to vector<16xi32>
    %add3A_435 = arith.addi %select_n3A_431, %add3A_434 : vector<16xi32>
    %swap3A_436 = arith.constant 208 : index
    %swap3A_437 = tpu.vector_load %arg6[%swap3A_436] {strides = array<i32>} : memref<512xi32, #tpu.memory_space<vmem>>, vector<16xi32>,
    %swap3A_438 = vector.shape_cast %swap3A_437 : vector<16xi32> to vector<16xi32>
    %swap3A_439 = vector.shape_cast %add3A_435 : vector<16xi32> to vector<16xi32>
    tpu.vector_store %arg6[%swap3A_436], %swap3A_439 {strides = array<i32>} : memref<512xi32, #tpu.memory_space<vmem>>, vector<16xi32>,
    %get3A_440 = arith.constant 224 : index
    %get3A_441 = tpu.vector_load %arg5[%get3A_440] {strides = array<i32>} : memref<512xi32, #tpu.memory_space<vmem>>, vector<16xi32>,
    %get3A_442 = vector.shape_cast %get3A_441 : vector<16xi32> to vector<16xi32>
    %eq3A_443 = arith.constant 200 : i32
    %eq3A_444 = vector.broadcast %eq3A_443 : i32 to vector<16xi32>
    %eq3A_445 = arith.cmpi eq, %get3A_442, %eq3A_444 : vector<16xi32>
    %jit3A_446 = arith.constant 1 : i32
    %jit3A_447 = arith.constant 0 : i32
    %broadcast_in_dim3A_448 = vector.broadcast %jit3A_446 : i32 to vector<16xi32>
    %broadcast_in_dim3A_449 = vector.broadcast %jit3A_447 : i32 to vector<16xi32>
    %select_n3A_450 = arith.select %eq3A_445, %broadcast_in_dim3A_448, %broadcast_in_dim3A_449 : vector<16xi1>, vector<16xi32>
    %eq3A_451 = arith.constant 250 : i32
    %eq3A_452 = vector.broadcast %eq3A_451 : i32 to vector<16xi32>
    %eq3A_453 = arith.cmpi eq, %get3A_442, %eq3A_452 : vector<16xi32>
    %jit3A_454 = arith.constant 2 : i32
    %broadcast_in_dim3A_455 = vector.broadcast %jit3A_454 : i32 to vector<16xi32>
    %select_n3A_456 = arith.select %eq3A_453, %broadcast_in_dim3A_455, %select_n3A_450 : vector<16xi1>, vector<16xi32>
    %eq3A_457 = arith.constant 300 : i32
    %eq3A_458 = vector.broadcast %eq3A_457 : i32 to vector<16xi32>
    %eq3A_459 = arith.cmpi eq, %get3A_442, %eq3A_458 : vector<16xi32>
    %jit3A_460 = arith.constant 3 : i32
    %broadcast_in_dim3A_461 = vector.broadcast %jit3A_460 : i32 to vector<16xi32>
    %select_n3A_462 = arith.select %eq3A_459, %broadcast_in_dim3A_461, %select_n3A_456 : vector<16xi1>, vector<16xi32>
    %mul3A_463 = arith.constant 5 : i32
    %mul3A_464 = arith.muli %arg1, %mul3A_463 : i32
    %add3A_465 = vector.broadcast %mul3A_464 : i32 to vector<16xi32>
    %add3A_466 = arith.addi %select_n3A_462, %add3A_465 : vector<16xi32>
    %swap3A_467 = arith.constant 224 : index
    %swap3A_468 = tpu.vector_load %arg6[%swap3A_467] {strides = array<i32>} : memref<512xi32, #tpu.memory_space<vmem>>, vector<16xi32>,
    %swap3A_469 = vector.shape_cast %swap3A_468 : vector<16xi32> to vector<16xi32>
    %swap3A_470 = vector.shape_cast %add3A_466 : vector<16xi32> to vector<16xi32>
    tpu.vector_store %arg6[%swap3A_467], %swap3A_470 {strides = array<i32>} : memref<512xi32, #tpu.memory_space<vmem>>, vector<16xi32>,
    %get3A_471 = arith.constant 240 : index
    %get3A_472 = tpu.vector_load %arg5[%get3A_471] {strides = array<i32>} : memref<512xi32, #tpu.memory_space<vmem>>, vector<16xi32>,
    %get3A_473 = vector.shape_cast %get3A_472 : vector<16xi32> to vector<16xi32>
    %eq3A_474 = arith.constant 200 : i32
    %eq3A_475 = vector.broadcast %eq3A_474 : i32 to vector<16xi32>
    %eq3A_476 = arith.cmpi eq, %get3A_473, %eq3A_475 : vector<16xi32>
    %jit3A_477 = arith.constant 1 : i32
    %jit3A_478 = arith.constant 0 : i32
    %broadcast_in_dim3A_479 = vector.broadcast %jit3A_477 : i32 to vector<16xi32>
    %broadcast_in_dim3A_480 = vector.broadcast %jit3A_478 : i32 to vector<16xi32>
    %select_n3A_481 = arith.select %eq3A_476, %broadcast_in_dim3A_479, %broadcast_in_dim3A_480 : vector<16xi1>, vector<16xi32>
    %eq3A_482 = arith.constant 250 : i32
    %eq3A_483 = vector.broadcast %eq3A_482 : i32 to vector<16xi32>
    %eq3A_484 = arith.cmpi eq, %get3A_473, %eq3A_483 : vector<16xi32>
    %jit3A_485 = arith.constant 2 : i32
    %broadcast_in_dim3A_486 = vector.broadcast %jit3A_485 : i32 to vector<16xi32>
    %select_n3A_487 = arith.select %eq3A_484, %broadcast_in_dim3A_486, %select_n3A_481 : vector<16xi1>, vector<16xi32>
    %eq3A_488 = arith.constant 300 : i32
    %eq3A_489 = vector.broadcast %eq3A_488 : i32 to vector<16xi32>
    %eq3A_490 = arith.cmpi eq, %get3A_473, %eq3A_489 : vector<16xi32>
    %jit3A_491 = arith.constant 3 : i32
    %broadcast_in_dim3A_492 = vector.broadcast %jit3A_491 : i32 to vector<16xi32>
    %select_n3A_493 = arith.select %eq3A_490, %broadcast_in_dim3A_492, %select_n3A_487 : vector<16xi1>, vector<16xi32>
    %mul3A_494 = arith.constant 5 : i32
    %mul3A_495 = arith.muli %arg1, %mul3A_494 : i32
    %add3A_496 = vector.broadcast %mul3A_495 : i32 to vector<16xi32>
    %add3A_497 = arith.addi %select_n3A_493, %add3A_496 : vector<16xi32>
    %swap3A_498 = arith.constant 240 : index
    %swap3A_499 = tpu.vector_load %arg6[%swap3A_498] {strides = array<i32>} : memref<512xi32, #tpu.memory_space<vmem>>, vector<16xi32>,
    %swap3A_500 = vector.shape_cast %swap3A_499 : vector<16xi32> to vector<16xi32>
    %swap3A_501 = vector.shape_cast %add3A_497 : vector<16xi32> to vector<16xi32>
    tpu.vector_store %arg6[%swap3A_498], %swap3A_501 {strides = array<i32>} : memref<512xi32, #tpu.memory_space<vmem>>, vector<16xi32>,
    %dma_start3A_502 = arith.constant 128 : i32
    %dma_start3A_503 = arith.constant 0 : i32
    %dma_start3A_504 = tpu.memref_slice %arg8[%dma_start3A_502, %dma_start3A_503] : memref<512x32xf32, #tpu.memory_space<vmem>> -> memref<128x32xf32, #tpu.memory_space<vmem>>
    %dma_start3A_505 = arith.constant 128 : i32
    %dma_start3A_506 = tpu.memref_slice %arg6[%dma_start3A_505] : memref<512xi32, #tpu.memory_space<vmem>> -> memref<128xi32, #tpu.memory_space<vmem>>
    %dma_start3A_507 = arith.constant 0 : i32
    %dma_start3A_508 = arith.constant 0 : i32
    %dma_start3A_509 = tpu.memref_slice %arg7[%dma_start3A_507, %dma_start3A_508] : memref<80x32xf32, #tpu.memory_space<vmem_shared>> -> memref<80x32xf32, #tpu.memory_space<vmem_shared>>
    tpu.enqueue_indirect_dma source(%dma_start3A_509 : memref<80x32xf32, #tpu.memory_space<vmem_shared>>) target(%dma_start3A_504 : memref<128x32xf32, #tpu.memory_space<vmem>>) offsets(%dma_start3A_506 : memref<128xi32, #tpu.memory_space<vmem>>) semaphore(%arg10 : memref<!tpu.dma_semaphore, #tpu.memory_space<semaphore_mem>>)
    %dma_wait3A = arith.constant 0 : i32
    %dma_wait3A_510 = arith.constant 0 : i32
    %dma_wait3A_511 = tpu.memref_slice %arg8[%dma_wait3A, %dma_wait3A_510] : memref<512x32xf32, #tpu.memory_space<vmem>> -> memref<128x32xf32, #tpu.memory_space<vmem>>
    %dma_wait3A_512 = arith.constant 0 : i32
    %dma_wait3A_513 = tpu.memref_slice %arg6[%dma_wait3A_512] : memref<512xi32, #tpu.memory_space<vmem>> -> memref<128xi32, #tpu.memory_space<vmem>>
    %dma_wait3A_514 = arith.constant 0 : i32
    %dma_wait3A_515 = arith.constant 0 : i32
    %dma_wait3A_516 = tpu.memref_slice %arg7[%dma_wait3A_514, %dma_wait3A_515] : memref<80x32xf32, #tpu.memory_space<vmem_shared>> -> memref<80x32xf32, #tpu.memory_space<vmem_shared>>
    tpu.wait_indirect_dma semaphore(%arg9 : memref<!tpu.dma_semaphore, #tpu.memory_space<semaphore_mem>>) src(%dma_wait3A_516 : memref<80x32xf32, #tpu.memory_space<vmem_shared>>) dst(%dma_wait3A_511 : memref<128x32xf32, #tpu.memory_space<vmem>>)
    %add3A_517 = arith.constant 0 : i32
    %add3A_518 = arith.addi %mul3A_2, %add3A_517 : i32
    %dma_start3A_519 = arith.constant 0 : i32
    %dma_start3A_520 = arith.constant 0 : i32
    %dma_start3A_521 = tpu.memref_slice %arg8[%dma_start3A_519, %dma_start3A_520] : memref<512x32xf32, #tpu.memory_space<vmem>> -> memref<128x32xf32, #tpu.memory_space<vmem>>
    %dma_start3A_522 = arith.constant 0 : i32
    %dma_start3A_523 = tpu.memref_slice %arg4[%add3A_518, %dma_start3A_522] : memref<16384x32xf32, #tpu.memory_space<hbm>> -> memref<128x32xf32, #tpu.memory_space<hbm>>
    %dma_start3A_524 = arith.constant 0 : i32
    %dma_start3A_525 = tpu.memref_slice %arg4[%add3A_518, %dma_start3A_524] : memref<16384x32xf32, #tpu.memory_space<hbm>> -> memref<128x32xf32, #tpu.memory_space<hbm>>
    %dma_start3A_526 = arith.constant 0 : i32
    %dma_start3A_527 = arith.constant 0 : i32
    %dma_start3A_528 = tpu.memref_slice %arg8[%dma_start3A_526, %dma_start3A_527] : memref<512x32xf32, #tpu.memory_space<vmem>> -> memref<128x32xf32, #tpu.memory_space<vmem>>
    tpu.enqueue_dma source(%dma_start3A_528 : memref<128x32xf32, #tpu.memory_space<vmem>>) target(%dma_start3A_525 : memref<128x32xf32, #tpu.memory_space<hbm>>) target_semaphore(%arg13 : memref<!tpu.dma_semaphore, #tpu.memory_space<semaphore_mem>>)
    %get3A_529 = arith.constant 256 : index
    %get3A_530 = tpu.vector_load %arg5[%get3A_529] {strides = array<i32>} : memref<512xi32, #tpu.memory_space<vmem>>, vector<16xi32>,
    %get3A_531 = vector.shape_cast %get3A_530 : vector<16xi32> to vector<16xi32>
    %eq3A_532 = arith.constant 200 : i32
    %eq3A_533 = vector.broadcast %eq3A_532 : i32 to vector<16xi32>
    %eq3A_534 = arith.cmpi eq, %get3A_531, %eq3A_533 : vector<16xi32>
    %jit3A_535 = arith.constant 1 : i32
    %jit3A_536 = arith.constant 0 : i32
    %broadcast_in_dim3A_537 = vector.broadcast %jit3A_535 : i32 to vector<16xi32>
    %broadcast_in_dim3A_538 = vector.broadcast %jit3A_536 : i32 to vector<16xi32>
    %select_n3A_539 = arith.select %eq3A_534, %broadcast_in_dim3A_537, %broadcast_in_dim3A_538 : vector<16xi1>, vector<16xi32>
    %eq3A_540 = arith.constant 250 : i32
    %eq3A_541 = vector.broadcast %eq3A_540 : i32 to vector<16xi32>
    %eq3A_542 = arith.cmpi eq, %get3A_531, %eq3A_541 : vector<16xi32>
    %jit3A_543 = arith.constant 2 : i32
    %broadcast_in_dim3A_544 = vector.broadcast %jit3A_543 : i32 to vector<16xi32>
    %select_n3A_545 = arith.select %eq3A_542, %broadcast_in_dim3A_544, %select_n3A_539 : vector<16xi1>, vector<16xi32>
    %eq3A_546 = arith.constant 300 : i32
    %eq3A_547 = vector.broadcast %eq3A_546 : i32 to vector<16xi32>
    %eq3A_548 = arith.cmpi eq, %get3A_531, %eq3A_547 : vector<16xi32>
    %jit3A_549 = arith.constant 3 : i32
    %broadcast_in_dim3A_550 = vector.broadcast %jit3A_549 : i32 to vector<16xi32>
    %select_n3A_551 = arith.select %eq3A_548, %broadcast_in_dim3A_550, %select_n3A_545 : vector<16xi1>, vector<16xi32>
    %mul3A_552 = arith.constant 5 : i32
    %mul3A_553 = arith.muli %arg1, %mul3A_552 : i32
    %add3A_554 = vector.broadcast %mul3A_553 : i32 to vector<16xi32>
    %add3A_555 = arith.addi %select_n3A_551, %add3A_554 : vector<16xi32>
    %swap3A_556 = arith.constant 256 : index
    %swap3A_557 = tpu.vector_load %arg6[%swap3A_556] {strides = array<i32>} : memref<512xi32, #tpu.memory_space<vmem>>, vector<16xi32>,
    %swap3A_558 = vector.shape_cast %swap3A_557 : vector<16xi32> to vector<16xi32>
    %swap3A_559 = vector.shape_cast %add3A_555 : vector<16xi32> to vector<16xi32>
    tpu.vector_store %arg6[%swap3A_556], %swap3A_559 {strides = array<i32>} : memref<512xi32, #tpu.memory_space<vmem>>, vector<16xi32>,
    %get3A_560 = arith.constant 272 : index
    %get3A_561 = tpu.vector_load %arg5[%get3A_560] {strides = array<i32>} : memref<512xi32, #tpu.memory_space<vmem>>, vector<16xi32>,
    %get3A_562 = vector.shape_cast %get3A_561 : vector<16xi32> to vector<16xi32>
    %eq3A_563 = arith.constant 200 : i32
    %eq3A_564 = vector.broadcast %eq3A_563 : i32 to vector<16xi32>
    %eq3A_565 = arith.cmpi eq, %get3A_562, %eq3A_564 : vector<16xi32>
    %jit3A_566 = arith.constant 1 : i32
    %jit3A_567 = arith.constant 0 : i32
    %broadcast_in_dim3A_568 = vector.broadcast %jit3A_566 : i32 to vector<16xi32>
    %broadcast_in_dim3A_569 = vector.broadcast %jit3A_567 : i32 to vector<16xi32>
    %select_n3A_570 = arith.select %eq3A_565, %broadcast_in_dim3A_568, %broadcast_in_dim3A_569 : vector<16xi1>, vector<16xi32>
    %eq3A_571 = arith.constant 250 : i32
    %eq3A_572 = vector.broadcast %eq3A_571 : i32 to vector<16xi32>
    %eq3A_573 = arith.cmpi eq, %get3A_562, %eq3A_572 : vector<16xi32>
    %jit3A_574 = arith.constant 2 : i32
    %broadcast_in_dim3A_575 = vector.broadcast %jit3A_574 : i32 to vector<16xi32>
    %select_n3A_576 = arith.select %eq3A_573, %broadcast_in_dim3A_575, %select_n3A_570 : vector<16xi1>, vector<16xi32>
    %eq3A_577 = arith.constant 300 : i32
    %eq3A_578 = vector.broadcast %eq3A_577 : i32 to vector<16xi32>
    %eq3A_579 = arith.cmpi eq, %get3A_562, %eq3A_578 : vector<16xi32>
    %jit3A_580 = arith.constant 3 : i32
    %broadcast_in_dim3A_581 = vector.broadcast %jit3A_580 : i32 to vector<16xi32>
    %select_n3A_582 = arith.select %eq3A_579, %broadcast_in_dim3A_581, %select_n3A_576 : vector<16xi1>, vector<16xi32>
    %mul3A_583 = arith.constant 5 : i32
    %mul3A_584 = arith.muli %arg1, %mul3A_583 : i32
    %add3A_585 = vector.broadcast %mul3A_584 : i32 to vector<16xi32>
    %add3A_586 = arith.addi %select_n3A_582, %add3A_585 : vector<16xi32>
    %swap3A_587 = arith.constant 272 : index
    %swap3A_588 = tpu.vector_load %arg6[%swap3A_587] {strides = array<i32>} : memref<512xi32, #tpu.memory_space<vmem>>, vector<16xi32>,
    %swap3A_589 = vector.shape_cast %swap3A_588 : vector<16xi32> to vector<16xi32>
    %swap3A_590 = vector.shape_cast %add3A_586 : vector<16xi32> to vector<16xi32>
    tpu.vector_store %arg6[%swap3A_587], %swap3A_590 {strides = array<i32>} : memref<512xi32, #tpu.memory_space<vmem>>, vector<16xi32>,
    %get3A_591 = arith.constant 288 : index
    %get3A_592 = tpu.vector_load %arg5[%get3A_591] {strides = array<i32>} : memref<512xi32, #tpu.memory_space<vmem>>, vector<16xi32>,
    %get3A_593 = vector.shape_cast %get3A_592 : vector<16xi32> to vector<16xi32>
    %eq3A_594 = arith.constant 200 : i32
    %eq3A_595 = vector.broadcast %eq3A_594 : i32 to vector<16xi32>
    %eq3A_596 = arith.cmpi eq, %get3A_593, %eq3A_595 : vector<16xi32>
    %jit3A_597 = arith.constant 1 : i32
    %jit3A_598 = arith.constant 0 : i32
    %broadcast_in_dim3A_599 = vector.broadcast %jit3A_597 : i32 to vector<16xi32>
    %broadcast_in_dim3A_600 = vector.broadcast %jit3A_598 : i32 to vector<16xi32>
    %select_n3A_601 = arith.select %eq3A_596, %broadcast_in_dim3A_599, %broadcast_in_dim3A_600 : vector<16xi1>, vector<16xi32>
    %eq3A_602 = arith.constant 250 : i32
    %eq3A_603 = vector.broadcast %eq3A_602 : i32 to vector<16xi32>
    %eq3A_604 = arith.cmpi eq, %get3A_593, %eq3A_603 : vector<16xi32>
    %jit3A_605 = arith.constant 2 : i32
    %broadcast_in_dim3A_606 = vector.broadcast %jit3A_605 : i32 to vector<16xi32>
    %select_n3A_607 = arith.select %eq3A_604, %broadcast_in_dim3A_606, %select_n3A_601 : vector<16xi1>, vector<16xi32>
    %eq3A_608 = arith.constant 300 : i32
    %eq3A_609 = vector.broadcast %eq3A_608 : i32 to vector<16xi32>
    %eq3A_610 = arith.cmpi eq, %get3A_593, %eq3A_609 : vector<16xi32>
    %jit3A_611 = arith.constant 3 : i32
    %broadcast_in_dim3A_612 = vector.broadcast %jit3A_611 : i32 to vector<16xi32>
    %select_n3A_613 = arith.select %eq3A_610, %broadcast_in_dim3A_612, %select_n3A_607 : vector<16xi1>, vector<16xi32>
    %mul3A_614 = arith.constant 5 : i32
    %mul3A_615 = arith.muli %arg1, %mul3A_614 : i32
    %add3A_616 = vector.broadcast %mul3A_615 : i32 to vector<16xi32>
    %add3A_617 = arith.addi %select_n3A_613, %add3A_616 : vector<16xi32>
    %swap3A_618 = arith.constant 288 : index
    %swap3A_619 = tpu.vector_load %arg6[%swap3A_618] {strides = array<i32>} : memref<512xi32, #tpu.memory_space<vmem>>, vector<16xi32>,
    %swap3A_620 = vector.shape_cast %swap3A_619 : vector<16xi32> to vector<16xi32>
    %swap3A_621 = vector.shape_cast %add3A_617 : vector<16xi32> to vector<16xi32>
    tpu.vector_store %arg6[%swap3A_618], %swap3A_621 {strides = array<i32>} : memref<512xi32, #tpu.memory_space<vmem>>, vector<16xi32>,
    %get3A_622 = arith.constant 304 : index
    %get3A_623 = tpu.vector_load %arg5[%get3A_622] {strides = array<i32>} : memref<512xi32, #tpu.memory_space<vmem>>, vector<16xi32>,
    %get3A_624 = vector.shape_cast %get3A_623 : vector<16xi32> to vector<16xi32>
    %eq3A_625 = arith.constant 200 : i32
    %eq3A_626 = vector.broadcast %eq3A_625 : i32 to vector<16xi32>
    %eq3A_627 = arith.cmpi eq, %get3A_624, %eq3A_626 : vector<16xi32>
    %jit3A_628 = arith.constant 1 : i32
    %jit3A_629 = arith.constant 0 : i32
    %broadcast_in_dim3A_630 = vector.broadcast %jit3A_628 : i32 to vector<16xi32>
    %broadcast_in_dim3A_631 = vector.broadcast %jit3A_629 : i32 to vector<16xi32>
    %select_n3A_632 = arith.select %eq3A_627, %broadcast_in_dim3A_630, %broadcast_in_dim3A_631 : vector<16xi1>, vector<16xi32>
    %eq3A_633 = arith.constant 250 : i32
    %eq3A_634 = vector.broadcast %eq3A_633 : i32 to vector<16xi32>
    %eq3A_635 = arith.cmpi eq, %get3A_624, %eq3A_634 : vector<16xi32>
    %jit3A_636 = arith.constant 2 : i32
    %broadcast_in_dim3A_637 = vector.broadcast %jit3A_636 : i32 to vector<16xi32>
    %select_n3A_638 = arith.select %eq3A_635, %broadcast_in_dim3A_637, %select_n3A_632 : vector<16xi1>, vector<16xi32>
    %eq3A_639 = arith.constant 300 : i32
    %eq3A_640 = vector.broadcast %eq3A_639 : i32 to vector<16xi32>
    %eq3A_641 = arith.cmpi eq, %get3A_624, %eq3A_640 : vector<16xi32>
    %jit3A_642 = arith.constant 3 : i32
    %broadcast_in_dim3A_643 = vector.broadcast %jit3A_642 : i32 to vector<16xi32>
    %select_n3A_644 = arith.select %eq3A_641, %broadcast_in_dim3A_643, %select_n3A_638 : vector<16xi1>, vector<16xi32>
    %mul3A_645 = arith.constant 5 : i32
    %mul3A_646 = arith.muli %arg1, %mul3A_645 : i32
    %add3A_647 = vector.broadcast %mul3A_646 : i32 to vector<16xi32>
    %add3A_648 = arith.addi %select_n3A_644, %add3A_647 : vector<16xi32>
    %swap3A_649 = arith.constant 304 : index
    %swap3A_650 = tpu.vector_load %arg6[%swap3A_649] {strides = array<i32>} : memref<512xi32, #tpu.memory_space<vmem>>, vector<16xi32>,
    %swap3A_651 = vector.shape_cast %swap3A_650 : vector<16xi32> to vector<16xi32>
    %swap3A_652 = vector.shape_cast %add3A_648 : vector<16xi32> to vector<16xi32>
    tpu.vector_store %arg6[%swap3A_649], %swap3A_652 {strides = array<i32>} : memref<512xi32, #tpu.memory_space<vmem>>, vector<16xi32>,
    %get3A_653 = arith.constant 320 : index
    %get3A_654 = tpu.vector_load %arg5[%get3A_653] {strides = array<i32>} : memref<512xi32, #tpu.memory_space<vmem>>, vector<16xi32>,
    %get3A_655 = vector.shape_cast %get3A_654 : vector<16xi32> to vector<16xi32>
    %eq3A_656 = arith.constant 200 : i32
    %eq3A_657 = vector.broadcast %eq3A_656 : i32 to vector<16xi32>
    %eq3A_658 = arith.cmpi eq, %get3A_655, %eq3A_657 : vector<16xi32>
    %jit3A_659 = arith.constant 1 : i32
    %jit3A_660 = arith.constant 0 : i32
    %broadcast_in_dim3A_661 = vector.broadcast %jit3A_659 : i32 to vector<16xi32>
    %broadcast_in_dim3A_662 = vector.broadcast %jit3A_660 : i32 to vector<16xi32>
    %select_n3A_663 = arith.select %eq3A_658, %broadcast_in_dim3A_661, %broadcast_in_dim3A_662 : vector<16xi1>, vector<16xi32>
    %eq3A_664 = arith.constant 250 : i32
    %eq3A_665 = vector.broadcast %eq3A_664 : i32 to vector<16xi32>
    %eq3A_666 = arith.cmpi eq, %get3A_655, %eq3A_665 : vector<16xi32>
    %jit3A_667 = arith.constant 2 : i32
    %broadcast_in_dim3A_668 = vector.broadcast %jit3A_667 : i32 to vector<16xi32>
    %select_n3A_669 = arith.select %eq3A_666, %broadcast_in_dim3A_668, %select_n3A_663 : vector<16xi1>, vector<16xi32>
    %eq3A_670 = arith.constant 300 : i32
    %eq3A_671 = vector.broadcast %eq3A_670 : i32 to vector<16xi32>
    %eq3A_672 = arith.cmpi eq, %get3A_655, %eq3A_671 : vector<16xi32>
    %jit3A_673 = arith.constant 3 : i32
    %broadcast_in_dim3A_674 = vector.broadcast %jit3A_673 : i32 to vector<16xi32>
    %select_n3A_675 = arith.select %eq3A_672, %broadcast_in_dim3A_674, %select_n3A_669 : vector<16xi1>, vector<16xi32>
    %mul3A_676 = arith.constant 5 : i32
    %mul3A_677 = arith.muli %arg1, %mul3A_676 : i32
    %add3A_678 = vector.broadcast %mul3A_677 : i32 to vector<16xi32>
    %add3A_679 = arith.addi %select_n3A_675, %add3A_678 : vector<16xi32>
    %swap3A_680 = arith.constant 320 : index
    %swap3A_681 = tpu.vector_load %arg6[%swap3A_680] {strides = array<i32>} : memref<512xi32, #tpu.memory_space<vmem>>, vector<16xi32>,
    %swap3A_682 = vector.shape_cast %swap3A_681 : vector<16xi32> to vector<16xi32>
    %swap3A_683 = vector.shape_cast %add3A_679 : vector<16xi32> to vector<16xi32>
    tpu.vector_store %arg6[%swap3A_680], %swap3A_683 {strides = array<i32>} : memref<512xi32, #tpu.memory_space<vmem>>, vector<16xi32>,
    %get3A_684 = arith.constant 336 : index
    %get3A_685 = tpu.vector_load %arg5[%get3A_684] {strides = array<i32>} : memref<512xi32, #tpu.memory_space<vmem>>, vector<16xi32>,
    %get3A_686 = vector.shape_cast %get3A_685 : vector<16xi32> to vector<16xi32>
    %eq3A_687 = arith.constant 200 : i32
    %eq3A_688 = vector.broadcast %eq3A_687 : i32 to vector<16xi32>
    %eq3A_689 = arith.cmpi eq, %get3A_686, %eq3A_688 : vector<16xi32>
    %jit3A_690 = arith.constant 1 : i32
    %jit3A_691 = arith.constant 0 : i32
    %broadcast_in_dim3A_692 = vector.broadcast %jit3A_690 : i32 to vector<16xi32>
    %broadcast_in_dim3A_693 = vector.broadcast %jit3A_691 : i32 to vector<16xi32>
    %select_n3A_694 = arith.select %eq3A_689, %broadcast_in_dim3A_692, %broadcast_in_dim3A_693 : vector<16xi1>, vector<16xi32>
    %eq3A_695 = arith.constant 250 : i32
    %eq3A_696 = vector.broadcast %eq3A_695 : i32 to vector<16xi32>
    %eq3A_697 = arith.cmpi eq, %get3A_686, %eq3A_696 : vector<16xi32>
    %jit3A_698 = arith.constant 2 : i32
    %broadcast_in_dim3A_699 = vector.broadcast %jit3A_698 : i32 to vector<16xi32>
    %select_n3A_700 = arith.select %eq3A_697, %broadcast_in_dim3A_699, %select_n3A_694 : vector<16xi1>, vector<16xi32>
    %eq3A_701 = arith.constant 300 : i32
    %eq3A_702 = vector.broadcast %eq3A_701 : i32 to vector<16xi32>
    %eq3A_703 = arith.cmpi eq, %get3A_686, %eq3A_702 : vector<16xi32>
    %jit3A_704 = arith.constant 3 : i32
    %broadcast_in_dim3A_705 = vector.broadcast %jit3A_704 : i32 to vector<16xi32>
    %select_n3A_706 = arith.select %eq3A_703, %broadcast_in_dim3A_705, %select_n3A_700 : vector<16xi1>, vector<16xi32>
    %mul3A_707 = arith.constant 5 : i32
    %mul3A_708 = arith.muli %arg1, %mul3A_707 : i32
    %add3A_709 = vector.broadcast %mul3A_708 : i32 to vector<16xi32>
    %add3A_710 = arith.addi %select_n3A_706, %add3A_709 : vector<16xi32>
    %swap3A_711 = arith.constant 336 : index
    %swap3A_712 = tpu.vector_load %arg6[%swap3A_711] {strides = array<i32>} : memref<512xi32, #tpu.memory_space<vmem>>, vector<16xi32>,
    %swap3A_713 = vector.shape_cast %swap3A_712 : vector<16xi32> to vector<16xi32>
    %swap3A_714 = vector.shape_cast %add3A_710 : vector<16xi32> to vector<16xi32>
    tpu.vector_store %arg6[%swap3A_711], %swap3A_714 {strides = array<i32>} : memref<512xi32, #tpu.memory_space<vmem>>, vector<16xi32>,
    %get3A_715 = arith.constant 352 : index
    %get3A_716 = tpu.vector_load %arg5[%get3A_715] {strides = array<i32>} : memref<512xi32, #tpu.memory_space<vmem>>, vector<16xi32>,
    %get3A_717 = vector.shape_cast %get3A_716 : vector<16xi32> to vector<16xi32>
    %eq3A_718 = arith.constant 200 : i32
    %eq3A_719 = vector.broadcast %eq3A_718 : i32 to vector<16xi32>
    %eq3A_720 = arith.cmpi eq, %get3A_717, %eq3A_719 : vector<16xi32>
    %jit3A_721 = arith.constant 1 : i32
    %jit3A_722 = arith.constant 0 : i32
    %broadcast_in_dim3A_723 = vector.broadcast %jit3A_721 : i32 to vector<16xi32>
    %broadcast_in_dim3A_724 = vector.broadcast %jit3A_722 : i32 to vector<16xi32>
    %select_n3A_725 = arith.select %eq3A_720, %broadcast_in_dim3A_723, %broadcast_in_dim3A_724 : vector<16xi1>, vector<16xi32>
    %eq3A_726 = arith.constant 250 : i32
    %eq3A_727 = vector.broadcast %eq3A_726 : i32 to vector<16xi32>
    %eq3A_728 = arith.cmpi eq, %get3A_717, %eq3A_727 : vector<16xi32>
    %jit3A_729 = arith.constant 2 : i32
    %broadcast_in_dim3A_730 = vector.broadcast %jit3A_729 : i32 to vector<16xi32>
    %select_n3A_731 = arith.select %eq3A_728, %broadcast_in_dim3A_730, %select_n3A_725 : vector<16xi1>, vector<16xi32>
    %eq3A_732 = arith.constant 300 : i32
    %eq3A_733 = vector.broadcast %eq3A_732 : i32 to vector<16xi32>
    %eq3A_734 = arith.cmpi eq, %get3A_717, %eq3A_733 : vector<16xi32>
    %jit3A_735 = arith.constant 3 : i32
    %broadcast_in_dim3A_736 = vector.broadcast %jit3A_735 : i32 to vector<16xi32>
    %select_n3A_737 = arith.select %eq3A_734, %broadcast_in_dim3A_736, %select_n3A_731 : vector<16xi1>, vector<16xi32>
    %mul3A_738 = arith.constant 5 : i32
    %mul3A_739 = arith.muli %arg1, %mul3A_738 : i32
    %add3A_740 = vector.broadcast %mul3A_739 : i32 to vector<16xi32>
    %add3A_741 = arith.addi %select_n3A_737, %add3A_740 : vector<16xi32>
    %swap3A_742 = arith.constant 352 : index
    %swap3A_743 = tpu.vector_load %arg6[%swap3A_742] {strides = array<i32>} : memref<512xi32, #tpu.memory_space<vmem>>, vector<16xi32>,
    %swap3A_744 = vector.shape_cast %swap3A_743 : vector<16xi32> to vector<16xi32>
    %swap3A_745 = vector.shape_cast %add3A_741 : vector<16xi32> to vector<16xi32>
    tpu.vector_store %arg6[%swap3A_742], %swap3A_745 {strides = array<i32>} : memref<512xi32, #tpu.memory_space<vmem>>, vector<16xi32>,
    %get3A_746 = arith.constant 368 : index
    %get3A_747 = tpu.vector_load %arg5[%get3A_746] {strides = array<i32>} : memref<512xi32, #tpu.memory_space<vmem>>, vector<16xi32>,
    %get3A_748 = vector.shape_cast %get3A_747 : vector<16xi32> to vector<16xi32>
    %eq3A_749 = arith.constant 200 : i32
    %eq3A_750 = vector.broadcast %eq3A_749 : i32 to vector<16xi32>
    %eq3A_751 = arith.cmpi eq, %get3A_748, %eq3A_750 : vector<16xi32>
    %jit3A_752 = arith.constant 1 : i32
    %jit3A_753 = arith.constant 0 : i32
    %broadcast_in_dim3A_754 = vector.broadcast %jit3A_752 : i32 to vector<16xi32>
    %broadcast_in_dim3A_755 = vector.broadcast %jit3A_753 : i32 to vector<16xi32>
    %select_n3A_756 = arith.select %eq3A_751, %broadcast_in_dim3A_754, %broadcast_in_dim3A_755 : vector<16xi1>, vector<16xi32>
    %eq3A_757 = arith.constant 250 : i32
    %eq3A_758 = vector.broadcast %eq3A_757 : i32 to vector<16xi32>
    %eq3A_759 = arith.cmpi eq, %get3A_748, %eq3A_758 : vector<16xi32>
    %jit3A_760 = arith.constant 2 : i32
    %broadcast_in_dim3A_761 = vector.broadcast %jit3A_760 : i32 to vector<16xi32>
    %select_n3A_762 = arith.select %eq3A_759, %broadcast_in_dim3A_761, %select_n3A_756 : vector<16xi1>, vector<16xi32>
    %eq3A_763 = arith.constant 300 : i32
    %eq3A_764 = vector.broadcast %eq3A_763 : i32 to vector<16xi32>
    %eq3A_765 = arith.cmpi eq, %get3A_748, %eq3A_764 : vector<16xi32>
    %jit3A_766 = arith.constant 3 : i32
    %broadcast_in_dim3A_767 = vector.broadcast %jit3A_766 : i32 to vector<16xi32>
    %select_n3A_768 = arith.select %eq3A_765, %broadcast_in_dim3A_767, %select_n3A_762 : vector<16xi1>, vector<16xi32>
    %mul3A_769 = arith.constant 5 : i32
    %mul3A_770 = arith.muli %arg1, %mul3A_769 : i32
    %add3A_771 = vector.broadcast %mul3A_770 : i32 to vector<16xi32>
    %add3A_772 = arith.addi %select_n3A_768, %add3A_771 : vector<16xi32>
    %swap3A_773 = arith.constant 368 : index
    %swap3A_774 = tpu.vector_load %arg6[%swap3A_773] {strides = array<i32>} : memref<512xi32, #tpu.memory_space<vmem>>, vector<16xi32>,
    %swap3A_775 = vector.shape_cast %swap3A_774 : vector<16xi32> to vector<16xi32>
    %swap3A_776 = vector.shape_cast %add3A_772 : vector<16xi32> to vector<16xi32>
    tpu.vector_store %arg6[%swap3A_773], %swap3A_776 {strides = array<i32>} : memref<512xi32, #tpu.memory_space<vmem>>, vector<16xi32>,
    %dma_start3A_777 = arith.constant 256 : i32
    %dma_start3A_778 = arith.constant 0 : i32
    %dma_start3A_779 = tpu.memref_slice %arg8[%dma_start3A_777, %dma_start3A_778] : memref<512x32xf32, #tpu.memory_space<vmem>> -> memref<128x32xf32, #tpu.memory_space<vmem>>
    %dma_start3A_780 = arith.constant 256 : i32
    %dma_start3A_781 = tpu.memref_slice %arg6[%dma_start3A_780] : memref<512xi32, #tpu.memory_space<vmem>> -> memref<128xi32, #tpu.memory_space<vmem>>
    %dma_start3A_782 = arith.constant 0 : i32
    %dma_start3A_783 = arith.constant 0 : i32
    %dma_start3A_784 = tpu.memref_slice %arg7[%dma_start3A_782, %dma_start3A_783] : memref<80x32xf32, #tpu.memory_space<vmem_shared>> -> memref<80x32xf32, #tpu.memory_space<vmem_shared>>
    tpu.enqueue_indirect_dma source(%dma_start3A_784 : memref<80x32xf32, #tpu.memory_space<vmem_shared>>) target(%dma_start3A_779 : memref<128x32xf32, #tpu.memory_space<vmem>>) offsets(%dma_start3A_781 : memref<128xi32, #tpu.memory_space<vmem>>) semaphore(%arg11 : memref<!tpu.dma_semaphore, #tpu.memory_space<semaphore_mem>>)
    %dma_wait3A_785 = arith.constant 128 : i32
    %dma_wait3A_786 = arith.constant 0 : i32
    %dma_wait3A_787 = tpu.memref_slice %arg8[%dma_wait3A_785, %dma_wait3A_786] : memref<512x32xf32, #tpu.memory_space<vmem>> -> memref<128x32xf32, #tpu.memory_space<vmem>>
    %dma_wait3A_788 = arith.constant 128 : i32
    %dma_wait3A_789 = tpu.memref_slice %arg6[%dma_wait3A_788] : memref<512xi32, #tpu.memory_space<vmem>> -> memref<128xi32, #tpu.memory_space<vmem>>
    %dma_wait3A_790 = arith.constant 0 : i32
    %dma_wait3A_791 = arith.constant 0 : i32
    %dma_wait3A_792 = tpu.memref_slice %arg7[%dma_wait3A_790, %dma_wait3A_791] : memref<80x32xf32, #tpu.memory_space<vmem_shared>> -> memref<80x32xf32, #tpu.memory_space<vmem_shared>>
    tpu.wait_indirect_dma semaphore(%arg10 : memref<!tpu.dma_semaphore, #tpu.memory_space<semaphore_mem>>) src(%dma_wait3A_792 : memref<80x32xf32, #tpu.memory_space<vmem_shared>>) dst(%dma_wait3A_787 : memref<128x32xf32, #tpu.memory_space<vmem>>)
    %add3A_793 = arith.constant 128 : i32
    %add3A_794 = arith.addi %mul3A_2, %add3A_793 : i32
    %dma_start3A_795 = arith.constant 128 : i32
    %dma_start3A_796 = arith.constant 0 : i32
    %dma_start3A_797 = tpu.memref_slice %arg8[%dma_start3A_795, %dma_start3A_796] : memref<512x32xf32, #tpu.memory_space<vmem>> -> memref<128x32xf32, #tpu.memory_space<vmem>>
    %dma_start3A_798 = arith.constant 0 : i32
    %dma_start3A_799 = tpu.memref_slice %arg4[%add3A_794, %dma_start3A_798] : memref<16384x32xf32, #tpu.memory_space<hbm>> -> memref<128x32xf32, #tpu.memory_space<hbm>>
    %dma_start3A_800 = arith.constant 0 : i32
    %dma_start3A_801 = tpu.memref_slice %arg4[%add3A_794, %dma_start3A_800] : memref<16384x32xf32, #tpu.memory_space<hbm>> -> memref<128x32xf32, #tpu.memory_space<hbm>>
    %dma_start3A_802 = arith.constant 128 : i32
    %dma_start3A_803 = arith.constant 0 : i32
    %dma_start3A_804 = tpu.memref_slice %arg8[%dma_start3A_802, %dma_start3A_803] : memref<512x32xf32, #tpu.memory_space<vmem>> -> memref<128x32xf32, #tpu.memory_space<vmem>>
    tpu.enqueue_dma source(%dma_start3A_804 : memref<128x32xf32, #tpu.memory_space<vmem>>) target(%dma_start3A_801 : memref<128x32xf32, #tpu.memory_space<hbm>>) target_semaphore(%arg13 : memref<!tpu.dma_semaphore, #tpu.memory_space<semaphore_mem>>)
    %get3A_805 = arith.constant 384 : index
    %get3A_806 = tpu.vector_load %arg5[%get3A_805] {strides = array<i32>} : memref<512xi32, #tpu.memory_space<vmem>>, vector<16xi32>,
    %get3A_807 = vector.shape_cast %get3A_806 : vector<16xi32> to vector<16xi32>
    %eq3A_808 = arith.constant 200 : i32
    %eq3A_809 = vector.broadcast %eq3A_808 : i32 to vector<16xi32>
    %eq3A_810 = arith.cmpi eq, %get3A_807, %eq3A_809 : vector<16xi32>
    %jit3A_811 = arith.constant 1 : i32
    %jit3A_812 = arith.constant 0 : i32
    %broadcast_in_dim3A_813 = vector.broadcast %jit3A_811 : i32 to vector<16xi32>
    %broadcast_in_dim3A_814 = vector.broadcast %jit3A_812 : i32 to vector<16xi32>
    %select_n3A_815 = arith.select %eq3A_810, %broadcast_in_dim3A_813, %broadcast_in_dim3A_814 : vector<16xi1>, vector<16xi32>
    %eq3A_816 = arith.constant 250 : i32
    %eq3A_817 = vector.broadcast %eq3A_816 : i32 to vector<16xi32>
    %eq3A_818 = arith.cmpi eq, %get3A_807, %eq3A_817 : vector<16xi32>
    %jit3A_819 = arith.constant 2 : i32
    %broadcast_in_dim3A_820 = vector.broadcast %jit3A_819 : i32 to vector<16xi32>
    %select_n3A_821 = arith.select %eq3A_818, %broadcast_in_dim3A_820, %select_n3A_815 : vector<16xi1>, vector<16xi32>
    %eq3A_822 = arith.constant 300 : i32
    %eq3A_823 = vector.broadcast %eq3A_822 : i32 to vector<16xi32>
    %eq3A_824 = arith.cmpi eq, %get3A_807, %eq3A_823 : vector<16xi32>
    %jit3A_825 = arith.constant 3 : i32
    %broadcast_in_dim3A_826 = vector.broadcast %jit3A_825 : i32 to vector<16xi32>
    %select_n3A_827 = arith.select %eq3A_824, %broadcast_in_dim3A_826, %select_n3A_821 : vector<16xi1>, vector<16xi32>
    %mul3A_828 = arith.constant 5 : i32
    %mul3A_829 = arith.muli %arg1, %mul3A_828 : i32
    %add3A_830 = vector.broadcast %mul3A_829 : i32 to vector<16xi32>
    %add3A_831 = arith.addi %select_n3A_827, %add3A_830 : vector<16xi32>
    %swap3A_832 = arith.constant 384 : index
    %swap3A_833 = tpu.vector_load %arg6[%swap3A_832] {strides = array<i32>} : memref<512xi32, #tpu.memory_space<vmem>>, vector<16xi32>,
    %swap3A_834 = vector.shape_cast %swap3A_833 : vector<16xi32> to vector<16xi32>
    %swap3A_835 = vector.shape_cast %add3A_831 : vector<16xi32> to vector<16xi32>
    tpu.vector_store %arg6[%swap3A_832], %swap3A_835 {strides = array<i32>} : memref<512xi32, #tpu.memory_space<vmem>>, vector<16xi32>,
    %get3A_836 = arith.constant 400 : index
    %get3A_837 = tpu.vector_load %arg5[%get3A_836] {strides = array<i32>} : memref<512xi32, #tpu.memory_space<vmem>>, vector<16xi32>,
    %get3A_838 = vector.shape_cast %get3A_837 : vector<16xi32> to vector<16xi32>
    %eq3A_839 = arith.constant 200 : i32
    %eq3A_840 = vector.broadcast %eq3A_839 : i32 to vector<16xi32>
    %eq3A_841 = arith.cmpi eq, %get3A_838, %eq3A_840 : vector<16xi32>
    %jit3A_842 = arith.constant 1 : i32
    %jit3A_843 = arith.constant 0 : i32
    %broadcast_in_dim3A_844 = vector.broadcast %jit3A_842 : i32 to vector<16xi32>
    %broadcast_in_dim3A_845 = vector.broadcast %jit3A_843 : i32 to vector<16xi32>
    %select_n3A_846 = arith.select %eq3A_841, %broadcast_in_dim3A_844, %broadcast_in_dim3A_845 : vector<16xi1>, vector<16xi32>
    %eq3A_847 = arith.constant 250 : i32
    %eq3A_848 = vector.broadcast %eq3A_847 : i32 to vector<16xi32>
    %eq3A_849 = arith.cmpi eq, %get3A_838, %eq3A_848 : vector<16xi32>
    %jit3A_850 = arith.constant 2 : i32
    %broadcast_in_dim3A_851 = vector.broadcast %jit3A_850 : i32 to vector<16xi32>
    %select_n3A_852 = arith.select %eq3A_849, %broadcast_in_dim3A_851, %select_n3A_846 : vector<16xi1>, vector<16xi32>
    %eq3A_853 = arith.constant 300 : i32
    %eq3A_854 = vector.broadcast %eq3A_853 : i32 to vector<16xi32>
    %eq3A_855 = arith.cmpi eq, %get3A_838, %eq3A_854 : vector<16xi32>
    %jit3A_856 = arith.constant 3 : i32
    %broadcast_in_dim3A_857 = vector.broadcast %jit3A_856 : i32 to vector<16xi32>
    %select_n3A_858 = arith.select %eq3A_855, %broadcast_in_dim3A_857, %select_n3A_852 : vector<16xi1>, vector<16xi32>
    %mul3A_859 = arith.constant 5 : i32
    %mul3A_860 = arith.muli %arg1, %mul3A_859 : i32
    %add3A_861 = vector.broadcast %mul3A_860 : i32 to vector<16xi32>
    %add3A_862 = arith.addi %select_n3A_858, %add3A_861 : vector<16xi32>
    %swap3A_863 = arith.constant 400 : index
    %swap3A_864 = tpu.vector_load %arg6[%swap3A_863] {strides = array<i32>} : memref<512xi32, #tpu.memory_space<vmem>>, vector<16xi32>,
    %swap3A_865 = vector.shape_cast %swap3A_864 : vector<16xi32> to vector<16xi32>
    %swap3A_866 = vector.shape_cast %add3A_862 : vector<16xi32> to vector<16xi32>
    tpu.vector_store %arg6[%swap3A_863], %swap3A_866 {strides = array<i32>} : memref<512xi32, #tpu.memory_space<vmem>>, vector<16xi32>,
    %get3A_867 = arith.constant 416 : index
    %get3A_868 = tpu.vector_load %arg5[%get3A_867] {strides = array<i32>} : memref<512xi32, #tpu.memory_space<vmem>>, vector<16xi32>,
    %get3A_869 = vector.shape_cast %get3A_868 : vector<16xi32> to vector<16xi32>
    %eq3A_870 = arith.constant 200 : i32
    %eq3A_871 = vector.broadcast %eq3A_870 : i32 to vector<16xi32>
    %eq3A_872 = arith.cmpi eq, %get3A_869, %eq3A_871 : vector<16xi32>
    %jit3A_873 = arith.constant 1 : i32
    %jit3A_874 = arith.constant 0 : i32
    %broadcast_in_dim3A_875 = vector.broadcast %jit3A_873 : i32 to vector<16xi32>
    %broadcast_in_dim3A_876 = vector.broadcast %jit3A_874 : i32 to vector<16xi32>
    %select_n3A_877 = arith.select %eq3A_872, %broadcast_in_dim3A_875, %broadcast_in_dim3A_876 : vector<16xi1>, vector<16xi32>
    %eq3A_878 = arith.constant 250 : i32
    %eq3A_879 = vector.broadcast %eq3A_878 : i32 to vector<16xi32>
    %eq3A_880 = arith.cmpi eq, %get3A_869, %eq3A_879 : vector<16xi32>
    %jit3A_881 = arith.constant 2 : i32
    %broadcast_in_dim3A_882 = vector.broadcast %jit3A_881 : i32 to vector<16xi32>
    %select_n3A_883 = arith.select %eq3A_880, %broadcast_in_dim3A_882, %select_n3A_877 : vector<16xi1>, vector<16xi32>
    %eq3A_884 = arith.constant 300 : i32
    %eq3A_885 = vector.broadcast %eq3A_884 : i32 to vector<16xi32>
    %eq3A_886 = arith.cmpi eq, %get3A_869, %eq3A_885 : vector<16xi32>
    %jit3A_887 = arith.constant 3 : i32
    %broadcast_in_dim3A_888 = vector.broadcast %jit3A_887 : i32 to vector<16xi32>
    %select_n3A_889 = arith.select %eq3A_886, %broadcast_in_dim3A_888, %select_n3A_883 : vector<16xi1>, vector<16xi32>
    %mul3A_890 = arith.constant 5 : i32
    %mul3A_891 = arith.muli %arg1, %mul3A_890 : i32
    %add3A_892 = vector.broadcast %mul3A_891 : i32 to vector<16xi32>
    %add3A_893 = arith.addi %select_n3A_889, %add3A_892 : vector<16xi32>
    %swap3A_894 = arith.constant 416 : index
    %swap3A_895 = tpu.vector_load %arg6[%swap3A_894] {strides = array<i32>} : memref<512xi32, #tpu.memory_space<vmem>>, vector<16xi32>,
    %swap3A_896 = vector.shape_cast %swap3A_895 : vector<16xi32> to vector<16xi32>
    %swap3A_897 = vector.shape_cast %add3A_893 : vector<16xi32> to vector<16xi32>
    tpu.vector_store %arg6[%swap3A_894], %swap3A_897 {strides = array<i32>} : memref<512xi32, #tpu.memory_space<vmem>>, vector<16xi32>,
    %get3A_898 = arith.constant 432 : index
    %get3A_899 = tpu.vector_load %arg5[%get3A_898] {strides = array<i32>} : memref<512xi32, #tpu.memory_space<vmem>>, vector<16xi32>,
    %get3A_900 = vector.shape_cast %get3A_899 : vector<16xi32> to vector<16xi32>
    %eq3A_901 = arith.constant 200 : i32
    %eq3A_902 = vector.broadcast %eq3A_901 : i32 to vector<16xi32>
    %eq3A_903 = arith.cmpi eq, %get3A_900, %eq3A_902 : vector<16xi32>
    %jit3A_904 = arith.constant 1 : i32
    %jit3A_905 = arith.constant 0 : i32
    %broadcast_in_dim3A_906 = vector.broadcast %jit3A_904 : i32 to vector<16xi32>
    %broadcast_in_dim3A_907 = vector.broadcast %jit3A_905 : i32 to vector<16xi32>
    %select_n3A_908 = arith.select %eq3A_903, %broadcast_in_dim3A_906, %broadcast_in_dim3A_907 : vector<16xi1>, vector<16xi32>
    %eq3A_909 = arith.constant 250 : i32
    %eq3A_910 = vector.broadcast %eq3A_909 : i32 to vector<16xi32>
    %eq3A_911 = arith.cmpi eq, %get3A_900, %eq3A_910 : vector<16xi32>
    %jit3A_912 = arith.constant 2 : i32
    %broadcast_in_dim3A_913 = vector.broadcast %jit3A_912 : i32 to vector<16xi32>
    %select_n3A_914 = arith.select %eq3A_911, %broadcast_in_dim3A_913, %select_n3A_908 : vector<16xi1>, vector<16xi32>
    %eq3A_915 = arith.constant 300 : i32
    %eq3A_916 = vector.broadcast %eq3A_915 : i32 to vector<16xi32>
    %eq3A_917 = arith.cmpi eq, %get3A_900, %eq3A_916 : vector<16xi32>
    %jit3A_918 = arith.constant 3 : i32
    %broadcast_in_dim3A_919 = vector.broadcast %jit3A_918 : i32 to vector<16xi32>
    %select_n3A_920 = arith.select %eq3A_917, %broadcast_in_dim3A_919, %select_n3A_914 : vector<16xi1>, vector<16xi32>
    %mul3A_921 = arith.constant 5 : i32
    %mul3A_922 = arith.muli %arg1, %mul3A_921 : i32
    %add3A_923 = vector.broadcast %mul3A_922 : i32 to vector<16xi32>
    %add3A_924 = arith.addi %select_n3A_920, %add3A_923 : vector<16xi32>
    %swap3A_925 = arith.constant 432 : index
    %swap3A_926 = tpu.vector_load %arg6[%swap3A_925] {strides = array<i32>} : memref<512xi32, #tpu.memory_space<vmem>>, vector<16xi32>,
    %swap3A_927 = vector.shape_cast %swap3A_926 : vector<16xi32> to vector<16xi32>
    %swap3A_928 = vector.shape_cast %add3A_924 : vector<16xi32> to vector<16xi32>
    tpu.vector_store %arg6[%swap3A_925], %swap3A_928 {strides = array<i32>} : memref<512xi32, #tpu.memory_space<vmem>>, vector<16xi32>,
    %get3A_929 = arith.constant 448 : index
    %get3A_930 = tpu.vector_load %arg5[%get3A_929] {strides = array<i32>} : memref<512xi32, #tpu.memory_space<vmem>>, vector<16xi32>,
    %get3A_931 = vector.shape_cast %get3A_930 : vector<16xi32> to vector<16xi32>
    %eq3A_932 = arith.constant 200 : i32
    %eq3A_933 = vector.broadcast %eq3A_932 : i32 to vector<16xi32>
    %eq3A_934 = arith.cmpi eq, %get3A_931, %eq3A_933 : vector<16xi32>
    %jit3A_935 = arith.constant 1 : i32
    %jit3A_936 = arith.constant 0 : i32
    %broadcast_in_dim3A_937 = vector.broadcast %jit3A_935 : i32 to vector<16xi32>
    %broadcast_in_dim3A_938 = vector.broadcast %jit3A_936 : i32 to vector<16xi32>
    %select_n3A_939 = arith.select %eq3A_934, %broadcast_in_dim3A_937, %broadcast_in_dim3A_938 : vector<16xi1>, vector<16xi32>
    %eq3A_940 = arith.constant 250 : i32
    %eq3A_941 = vector.broadcast %eq3A_940 : i32 to vector<16xi32>
    %eq3A_942 = arith.cmpi eq, %get3A_931, %eq3A_941 : vector<16xi32>
    %jit3A_943 = arith.constant 2 : i32
    %broadcast_in_dim3A_944 = vector.broadcast %jit3A_943 : i32 to vector<16xi32>
    %select_n3A_945 = arith.select %eq3A_942, %broadcast_in_dim3A_944, %select_n3A_939 : vector<16xi1>, vector<16xi32>
    %eq3A_946 = arith.constant 300 : i32
    %eq3A_947 = vector.broadcast %eq3A_946 : i32 to vector<16xi32>
    %eq3A_948 = arith.cmpi eq, %get3A_931, %eq3A_947 : vector<16xi32>
    %jit3A_949 = arith.constant 3 : i32
    %broadcast_in_dim3A_950 = vector.broadcast %jit3A_949 : i32 to vector<16xi32>
    %select_n3A_951 = arith.select %eq3A_948, %broadcast_in_dim3A_950, %select_n3A_945 : vector<16xi1>, vector<16xi32>
    %mul3A_952 = arith.constant 5 : i32
    %mul3A_953 = arith.muli %arg1, %mul3A_952 : i32
    %add3A_954 = vector.broadcast %mul3A_953 : i32 to vector<16xi32>
    %add3A_955 = arith.addi %select_n3A_951, %add3A_954 : vector<16xi32>
    %swap3A_956 = arith.constant 448 : index
    %swap3A_957 = tpu.vector_load %arg6[%swap3A_956] {strides = array<i32>} : memref<512xi32, #tpu.memory_space<vmem>>, vector<16xi32>,
    %swap3A_958 = vector.shape_cast %swap3A_957 : vector<16xi32> to vector<16xi32>
    %swap3A_959 = vector.shape_cast %add3A_955 : vector<16xi32> to vector<16xi32>
    tpu.vector_store %arg6[%swap3A_956], %swap3A_959 {strides = array<i32>} : memref<512xi32, #tpu.memory_space<vmem>>, vector<16xi32>,
    %get3A_960 = arith.constant 464 : index
    %get3A_961 = tpu.vector_load %arg5[%get3A_960] {strides = array<i32>} : memref<512xi32, #tpu.memory_space<vmem>>, vector<16xi32>,
    %get3A_962 = vector.shape_cast %get3A_961 : vector<16xi32> to vector<16xi32>
    %eq3A_963 = arith.constant 200 : i32
    %eq3A_964 = vector.broadcast %eq3A_963 : i32 to vector<16xi32>
    %eq3A_965 = arith.cmpi eq, %get3A_962, %eq3A_964 : vector<16xi32>
    %jit3A_966 = arith.constant 1 : i32
    %jit3A_967 = arith.constant 0 : i32
    %broadcast_in_dim3A_968 = vector.broadcast %jit3A_966 : i32 to vector<16xi32>
    %broadcast_in_dim3A_969 = vector.broadcast %jit3A_967 : i32 to vector<16xi32>
    %select_n3A_970 = arith.select %eq3A_965, %broadcast_in_dim3A_968, %broadcast_in_dim3A_969 : vector<16xi1>, vector<16xi32>
    %eq3A_971 = arith.constant 250 : i32
    %eq3A_972 = vector.broadcast %eq3A_971 : i32 to vector<16xi32>
    %eq3A_973 = arith.cmpi eq, %get3A_962, %eq3A_972 : vector<16xi32>
    %jit3A_974 = arith.constant 2 : i32
    %broadcast_in_dim3A_975 = vector.broadcast %jit3A_974 : i32 to vector<16xi32>
    %select_n3A_976 = arith.select %eq3A_973, %broadcast_in_dim3A_975, %select_n3A_970 : vector<16xi1>, vector<16xi32>
    %eq3A_977 = arith.constant 300 : i32
    %eq3A_978 = vector.broadcast %eq3A_977 : i32 to vector<16xi32>
    %eq3A_979 = arith.cmpi eq, %get3A_962, %eq3A_978 : vector<16xi32>
    %jit3A_980 = arith.constant 3 : i32
    %broadcast_in_dim3A_981 = vector.broadcast %jit3A_980 : i32 to vector<16xi32>
    %select_n3A_982 = arith.select %eq3A_979, %broadcast_in_dim3A_981, %select_n3A_976 : vector<16xi1>, vector<16xi32>
    %mul3A_983 = arith.constant 5 : i32
    %mul3A_984 = arith.muli %arg1, %mul3A_983 : i32
    %add3A_985 = vector.broadcast %mul3A_984 : i32 to vector<16xi32>
    %add3A_986 = arith.addi %select_n3A_982, %add3A_985 : vector<16xi32>
    %swap3A_987 = arith.constant 464 : index
    %swap3A_988 = tpu.vector_load %arg6[%swap3A_987] {strides = array<i32>} : memref<512xi32, #tpu.memory_space<vmem>>, vector<16xi32>,
    %swap3A_989 = vector.shape_cast %swap3A_988 : vector<16xi32> to vector<16xi32>
    %swap3A_990 = vector.shape_cast %add3A_986 : vector<16xi32> to vector<16xi32>
    tpu.vector_store %arg6[%swap3A_987], %swap3A_990 {strides = array<i32>} : memref<512xi32, #tpu.memory_space<vmem>>, vector<16xi32>,
    %get3A_991 = arith.constant 480 : index
    %get3A_992 = tpu.vector_load %arg5[%get3A_991] {strides = array<i32>} : memref<512xi32, #tpu.memory_space<vmem>>, vector<16xi32>,
    %get3A_993 = vector.shape_cast %get3A_992 : vector<16xi32> to vector<16xi32>
    %eq3A_994 = arith.constant 200 : i32
    %eq3A_995 = vector.broadcast %eq3A_994 : i32 to vector<16xi32>
    %eq3A_996 = arith.cmpi eq, %get3A_993, %eq3A_995 : vector<16xi32>
    %jit3A_997 = arith.constant 1 : i32
    %jit3A_998 = arith.constant 0 : i32
    %broadcast_in_dim3A_999 = vector.broadcast %jit3A_997 : i32 to vector<16xi32>
    %broadcast_in_dim3A_1000 = vector.broadcast %jit3A_998 : i32 to vector<16xi32>
    %select_n3A_1001 = arith.select %eq3A_996, %broadcast_in_dim3A_999, %broadcast_in_dim3A_1000 : vector<16xi1>, vector<16xi32>
    %eq3A_1002 = arith.constant 250 : i32
    %eq3A_1003 = vector.broadcast %eq3A_1002 : i32 to vector<16xi32>
    %eq3A_1004 = arith.cmpi eq, %get3A_993, %eq3A_1003 : vector<16xi32>
    %jit3A_1005 = arith.constant 2 : i32
    %broadcast_in_dim3A_1006 = vector.broadcast %jit3A_1005 : i32 to vector<16xi32>
    %select_n3A_1007 = arith.select %eq3A_1004, %broadcast_in_dim3A_1006, %select_n3A_1001 : vector<16xi1>, vector<16xi32>
    %eq3A_1008 = arith.constant 300 : i32
    %eq3A_1009 = vector.broadcast %eq3A_1008 : i32 to vector<16xi32>
    %eq3A_1010 = arith.cmpi eq, %get3A_993, %eq3A_1009 : vector<16xi32>
    %jit3A_1011 = arith.constant 3 : i32
    %broadcast_in_dim3A_1012 = vector.broadcast %jit3A_1011 : i32 to vector<16xi32>
    %select_n3A_1013 = arith.select %eq3A_1010, %broadcast_in_dim3A_1012, %select_n3A_1007 : vector<16xi1>, vector<16xi32>
    %mul3A_1014 = arith.constant 5 : i32
    %mul3A_1015 = arith.muli %arg1, %mul3A_1014 : i32
    %add3A_1016 = vector.broadcast %mul3A_1015 : i32 to vector<16xi32>
    %add3A_1017 = arith.addi %select_n3A_1013, %add3A_1016 : vector<16xi32>
    %swap3A_1018 = arith.constant 480 : index
    %swap3A_1019 = tpu.vector_load %arg6[%swap3A_1018] {strides = array<i32>} : memref<512xi32, #tpu.memory_space<vmem>>, vector<16xi32>,
    %swap3A_1020 = vector.shape_cast %swap3A_1019 : vector<16xi32> to vector<16xi32>
    %swap3A_1021 = vector.shape_cast %add3A_1017 : vector<16xi32> to vector<16xi32>
    tpu.vector_store %arg6[%swap3A_1018], %swap3A_1021 {strides = array<i32>} : memref<512xi32, #tpu.memory_space<vmem>>, vector<16xi32>,
    %get3A_1022 = arith.constant 496 : index
    %get3A_1023 = tpu.vector_load %arg5[%get3A_1022] {strides = array<i32>} : memref<512xi32, #tpu.memory_space<vmem>>, vector<16xi32>,
    %get3A_1024 = vector.shape_cast %get3A_1023 : vector<16xi32> to vector<16xi32>
    %eq3A_1025 = arith.constant 200 : i32
    %eq3A_1026 = vector.broadcast %eq3A_1025 : i32 to vector<16xi32>
    %eq3A_1027 = arith.cmpi eq, %get3A_1024, %eq3A_1026 : vector<16xi32>
    %jit3A_1028 = arith.constant 1 : i32
    %jit3A_1029 = arith.constant 0 : i32
    %broadcast_in_dim3A_1030 = vector.broadcast %jit3A_1028 : i32 to vector<16xi32>
    %broadcast_in_dim3A_1031 = vector.broadcast %jit3A_1029 : i32 to vector<16xi32>
    %select_n3A_1032 = arith.select %eq3A_1027, %broadcast_in_dim3A_1030, %broadcast_in_dim3A_1031 : vector<16xi1>, vector<16xi32>
    %eq3A_1033 = arith.constant 250 : i32
    %eq3A_1034 = vector.broadcast %eq3A_1033 : i32 to vector<16xi32>
    %eq3A_1035 = arith.cmpi eq, %get3A_1024, %eq3A_1034 : vector<16xi32>
    %jit3A_1036 = arith.constant 2 : i32
    %broadcast_in_dim3A_1037 = vector.broadcast %jit3A_1036 : i32 to vector<16xi32>
    %select_n3A_1038 = arith.select %eq3A_1035, %broadcast_in_dim3A_1037, %select_n3A_1032 : vector<16xi1>, vector<16xi32>
    %eq3A_1039 = arith.constant 300 : i32
    %eq3A_1040 = vector.broadcast %eq3A_1039 : i32 to vector<16xi32>
    %eq3A_1041 = arith.cmpi eq, %get3A_1024, %eq3A_1040 : vector<16xi32>
    %jit3A_1042 = arith.constant 3 : i32
    %broadcast_in_dim3A_1043 = vector.broadcast %jit3A_1042 : i32 to vector<16xi32>
    %select_n3A_1044 = arith.select %eq3A_1041, %broadcast_in_dim3A_1043, %select_n3A_1038 : vector<16xi1>, vector<16xi32>
    %mul3A_1045 = arith.constant 5 : i32
    %mul3A_1046 = arith.muli %arg1, %mul3A_1045 : i32
    %add3A_1047 = vector.broadcast %mul3A_1046 : i32 to vector<16xi32>
    %add3A_1048 = arith.addi %select_n3A_1044, %add3A_1047 : vector<16xi32>
    %swap3A_1049 = arith.constant 496 : index
    %swap3A_1050 = tpu.vector_load %arg6[%swap3A_1049] {strides = array<i32>} : memref<512xi32, #tpu.memory_space<vmem>>, vector<16xi32>,
    %swap3A_1051 = vector.shape_cast %swap3A_1050 : vector<16xi32> to vector<16xi32>
    %swap3A_1052 = vector.shape_cast %add3A_1048 : vector<16xi32> to vector<16xi32>
    tpu.vector_store %arg6[%swap3A_1049], %swap3A_1052 {strides = array<i32>} : memref<512xi32, #tpu.memory_space<vmem>>, vector<16xi32>,
    %dma_start3A_1053 = arith.constant 384 : i32
    %dma_start3A_1054 = arith.constant 0 : i32
    %dma_start3A_1055 = tpu.memref_slice %arg8[%dma_start3A_1053, %dma_start3A_1054] : memref<512x32xf32, #tpu.memory_space<vmem>> -> memref<128x32xf32, #tpu.memory_space<vmem>>
    %dma_start3A_1056 = arith.constant 384 : i32
    %dma_start3A_1057 = tpu.memref_slice %arg6[%dma_start3A_1056] : memref<512xi32, #tpu.memory_space<vmem>> -> memref<128xi32, #tpu.memory_space<vmem>>
    %dma_start3A_1058 = arith.constant 0 : i32
    %dma_start3A_1059 = arith.constant 0 : i32
    %dma_start3A_1060 = tpu.memref_slice %arg7[%dma_start3A_1058, %dma_start3A_1059] : memref<80x32xf32, #tpu.memory_space<vmem_shared>> -> memref<80x32xf32, #tpu.memory_space<vmem_shared>>
    tpu.enqueue_indirect_dma source(%dma_start3A_1060 : memref<80x32xf32, #tpu.memory_space<vmem_shared>>) target(%dma_start3A_1055 : memref<128x32xf32, #tpu.memory_space<vmem>>) offsets(%dma_start3A_1057 : memref<128xi32, #tpu.memory_space<vmem>>) semaphore(%arg12 : memref<!tpu.dma_semaphore, #tpu.memory_space<semaphore_mem>>)
    %dma_wait3A_1061 = arith.constant 256 : i32
    %dma_wait3A_1062 = arith.constant 0 : i32
    %dma_wait3A_1063 = tpu.memref_slice %arg8[%dma_wait3A_1061, %dma_wait3A_1062] : memref<512x32xf32, #tpu.memory_space<vmem>> -> memref<128x32xf32, #tpu.memory_space<vmem>>
    %dma_wait3A_1064 = arith.constant 256 : i32
    %dma_wait3A_1065 = tpu.memref_slice %arg6[%dma_wait3A_1064] : memref<512xi32, #tpu.memory_space<vmem>> -> memref<128xi32, #tpu.memory_space<vmem>>
    %dma_wait3A_1066 = arith.constant 0 : i32
    %dma_wait3A_1067 = arith.constant 0 : i32
    %dma_wait3A_1068 = tpu.memref_slice %arg7[%dma_wait3A_1066, %dma_wait3A_1067] : memref<80x32xf32, #tpu.memory_space<vmem_shared>> -> memref<80x32xf32, #tpu.memory_space<vmem_shared>>
    tpu.wait_indirect_dma semaphore(%arg11 : memref<!tpu.dma_semaphore, #tpu.memory_space<semaphore_mem>>) src(%dma_wait3A_1068 : memref<80x32xf32, #tpu.memory_space<vmem_shared>>) dst(%dma_wait3A_1063 : memref<128x32xf32, #tpu.memory_space<vmem>>)
    %add3A_1069 = arith.constant 256 : i32
    %add3A_1070 = arith.addi %mul3A_2, %add3A_1069 : i32
    %dma_start3A_1071 = arith.constant 256 : i32
    %dma_start3A_1072 = arith.constant 0 : i32
    %dma_start3A_1073 = tpu.memref_slice %arg8[%dma_start3A_1071, %dma_start3A_1072] : memref<512x32xf32, #tpu.memory_space<vmem>> -> memref<128x32xf32, #tpu.memory_space<vmem>>
    %dma_start3A_1074 = arith.constant 0 : i32
    %dma_start3A_1075 = tpu.memref_slice %arg4[%add3A_1070, %dma_start3A_1074] : memref<16384x32xf32, #tpu.memory_space<hbm>> -> memref<128x32xf32, #tpu.memory_space<hbm>>
    %dma_start3A_1076 = arith.constant 0 : i32
    %dma_start3A_1077 = tpu.memref_slice %arg4[%add3A_1070, %dma_start3A_1076] : memref<16384x32xf32, #tpu.memory_space<hbm>> -> memref<128x32xf32, #tpu.memory_space<hbm>>
    %dma_start3A_1078 = arith.constant 256 : i32
    %dma_start3A_1079 = arith.constant 0 : i32
    %dma_start3A_1080 = tpu.memref_slice %arg8[%dma_start3A_1078, %dma_start3A_1079] : memref<512x32xf32, #tpu.memory_space<vmem>> -> memref<128x32xf32, #tpu.memory_space<vmem>>
    tpu.enqueue_dma source(%dma_start3A_1080 : memref<128x32xf32, #tpu.memory_space<vmem>>) target(%dma_start3A_1077 : memref<128x32xf32, #tpu.memory_space<hbm>>) target_semaphore(%arg13 : memref<!tpu.dma_semaphore, #tpu.memory_space<semaphore_mem>>)
    %dma_wait3A_1081 = arith.constant 384 : i32
    %dma_wait3A_1082 = arith.constant 0 : i32
    %dma_wait3A_1083 = tpu.memref_slice %arg8[%dma_wait3A_1081, %dma_wait3A_1082] : memref<512x32xf32, #tpu.memory_space<vmem>> -> memref<128x32xf32, #tpu.memory_space<vmem>>
    %dma_wait3A_1084 = arith.constant 384 : i32
    %dma_wait3A_1085 = tpu.memref_slice %arg6[%dma_wait3A_1084] : memref<512xi32, #tpu.memory_space<vmem>> -> memref<128xi32, #tpu.memory_space<vmem>>
    %dma_wait3A_1086 = arith.constant 0 : i32
    %dma_wait3A_1087 = arith.constant 0 : i32
    %dma_wait3A_1088 = tpu.memref_slice %arg7[%dma_wait3A_1086, %dma_wait3A_1087] : memref<80x32xf32, #tpu.memory_space<vmem_shared>> -> memref<80x32xf32, #tpu.memory_space<vmem_shared>>
    tpu.wait_indirect_dma semaphore(%arg12 : memref<!tpu.dma_semaphore, #tpu.memory_space<semaphore_mem>>) src(%dma_wait3A_1088 : memref<80x32xf32, #tpu.memory_space<vmem_shared>>) dst(%dma_wait3A_1083 : memref<128x32xf32, #tpu.memory_space<vmem>>)
    %add3A_1089 = arith.constant 384 : i32
    %add3A_1090 = arith.addi %mul3A_2, %add3A_1089 : i32
    %dma_start3A_1091 = arith.constant 384 : i32
    %dma_start3A_1092 = arith.constant 0 : i32
    %dma_start3A_1093 = tpu.memref_slice %arg8[%dma_start3A_1091, %dma_start3A_1092] : memref<512x32xf32, #tpu.memory_space<vmem>> -> memref<128x32xf32, #tpu.memory_space<vmem>>
    %dma_start3A_1094 = arith.constant 0 : i32
    %dma_start3A_1095 = tpu.memref_slice %arg4[%add3A_1090, %dma_start3A_1094] : memref<16384x32xf32, #tpu.memory_space<hbm>> -> memref<128x32xf32, #tpu.memory_space<hbm>>
    %dma_start3A_1096 = arith.constant 0 : i32
    %dma_start3A_1097 = tpu.memref_slice %arg4[%add3A_1090, %dma_start3A_1096] : memref<16384x32xf32, #tpu.memory_space<hbm>> -> memref<128x32xf32, #tpu.memory_space<hbm>>
    %dma_start3A_1098 = arith.constant 384 : i32
    %dma_start3A_1099 = arith.constant 0 : i32
    %dma_start3A_1100 = tpu.memref_slice %arg8[%dma_start3A_1098, %dma_start3A_1099] : memref<512x32xf32, #tpu.memory_space<vmem>> -> memref<128x32xf32, #tpu.memory_space<vmem>>
    tpu.enqueue_dma source(%dma_start3A_1100 : memref<128x32xf32, #tpu.memory_space<vmem>>) target(%dma_start3A_1097 : memref<128x32xf32, #tpu.memory_space<hbm>>) target_semaphore(%arg13 : memref<!tpu.dma_semaphore, #tpu.memory_space<semaphore_mem>>)
    %dma_wait3A_1101 = arith.constant 0 : i32
    %dma_wait3A_1102 = arith.constant 0 : i32
    %dma_wait3A_1103 = tpu.memref_slice %arg8[%dma_wait3A_1101, %dma_wait3A_1102] : memref<512x32xf32, #tpu.memory_space<vmem>> -> memref<128x32xf32, #tpu.memory_space<vmem>>
    %dma_wait3A_1104 = arith.constant 0 : i32
    %dma_wait3A_1105 = tpu.memref_slice %arg4[%add3A_518, %dma_wait3A_1104] : memref<16384x32xf32, #tpu.memory_space<hbm>> -> memref<128x32xf32, #tpu.memory_space<hbm>>
    %dma_wait3A_1106 = arith.constant 0 : i32
    %dma_wait3A_1107 = tpu.memref_slice %arg4[%add3A_518, %dma_wait3A_1106] : memref<16384x32xf32, #tpu.memory_space<hbm>> -> memref<128x32xf32, #tpu.memory_space<hbm>>
    %dma_wait3A_1108 = arith.constant 0 : i32
    %dma_wait3A_1109 = arith.constant 0 : i32
    %dma_wait3A_1110 = tpu.memref_slice %arg8[%dma_wait3A_1108, %dma_wait3A_1109] : memref<512x32xf32, #tpu.memory_space<vmem>> -> memref<128x32xf32, #tpu.memory_space<vmem>>
    tpu.wait_dma2 semaphore(%arg13 : memref<!tpu.dma_semaphore, #tpu.memory_space<semaphore_mem>>) src(%dma_wait3A_1110 : memref<128x32xf32, #tpu.memory_space<vmem>>) dst(%dma_wait3A_1107 : memref<128x32xf32, #tpu.memory_space<hbm>>)
    %dma_wait3A_1111 = arith.constant 128 : i32
    %dma_wait3A_1112 = arith.constant 0 : i32
    %dma_wait3A_1113 = tpu.memref_slice %arg8[%dma_wait3A_1111, %dma_wait3A_1112] : memref<512x32xf32, #tpu.memory_space<vmem>> -> memref<128x32xf32, #tpu.memory_space<vmem>>
    %dma_wait3A_1114 = arith.constant 0 : i32
    %dma_wait3A_1115 = tpu.memref_slice %arg4[%add3A_794, %dma_wait3A_1114] : memref<16384x32xf32, #tpu.memory_space<hbm>> -> memref<128x32xf32, #tpu.memory_space<hbm>>
    %dma_wait3A_1116 = arith.constant 0 : i32
    %dma_wait3A_1117 = tpu.memref_slice %arg4[%add3A_794, %dma_wait3A_1116] : memref<16384x32xf32, #tpu.memory_space<hbm>> -> memref<128x32xf32, #tpu.memory_space<hbm>>
    %dma_wait3A_1118 = arith.constant 128 : i32
    %dma_wait3A_1119 = arith.constant 0 : i32
    %dma_wait3A_1120 = tpu.memref_slice %arg8[%dma_wait3A_1118, %dma_wait3A_1119] : memref<512x32xf32, #tpu.memory_space<vmem>> -> memref<128x32xf32, #tpu.memory_space<vmem>>
    tpu.wait_dma2 semaphore(%arg13 : memref<!tpu.dma_semaphore, #tpu.memory_space<semaphore_mem>>) src(%dma_wait3A_1120 : memref<128x32xf32, #tpu.memory_space<vmem>>) dst(%dma_wait3A_1117 : memref<128x32xf32, #tpu.memory_space<hbm>>)
    %dma_wait3A_1121 = arith.constant 256 : i32
    %dma_wait3A_1122 = arith.constant 0 : i32
    %dma_wait3A_1123 = tpu.memref_slice %arg8[%dma_wait3A_1121, %dma_wait3A_1122] : memref<512x32xf32, #tpu.memory_space<vmem>> -> memref<128x32xf32, #tpu.memory_space<vmem>>
    %dma_wait3A_1124 = arith.constant 0 : i32
    %dma_wait3A_1125 = tpu.memref_slice %arg4[%add3A_1070, %dma_wait3A_1124] : memref<16384x32xf32, #tpu.memory_space<hbm>> -> memref<128x32xf32, #tpu.memory_space<hbm>>
    %dma_wait3A_1126 = arith.constant 0 : i32
    %dma_wait3A_1127 = tpu.memref_slice %arg4[%add3A_1070, %dma_wait3A_1126] : memref<16384x32xf32, #tpu.memory_space<hbm>> -> memref<128x32xf32, #tpu.memory_space<hbm>>
    %dma_wait3A_1128 = arith.constant 256 : i32
    %dma_wait3A_1129 = arith.constant 0 : i32
    %dma_wait3A_1130 = tpu.memref_slice %arg8[%dma_wait3A_1128, %dma_wait3A_1129] : memref<512x32xf32, #tpu.memory_space<vmem>> -> memref<128x32xf32, #tpu.memory_space<vmem>>
    tpu.wait_dma2 semaphore(%arg13 : memref<!tpu.dma_semaphore, #tpu.memory_space<semaphore_mem>>) src(%dma_wait3A_1130 : memref<128x32xf32, #tpu.memory_space<vmem>>) dst(%dma_wait3A_1127 : memref<128x32xf32, #tpu.memory_space<hbm>>)
    %dma_wait3A_1131 = arith.constant 384 : i32
    %dma_wait3A_1132 = arith.constant 0 : i32
    %dma_wait3A_1133 = tpu.memref_slice %arg8[%dma_wait3A_1131, %dma_wait3A_1132] : memref<512x32xf32, #tpu.memory_space<vmem>> -> memref<128x32xf32, #tpu.memory_space<vmem>>
    %dma_wait3A_1134 = arith.constant 0 : i32
    %dma_wait3A_1135 = tpu.memref_slice %arg4[%add3A_1090, %dma_wait3A_1134] : memref<16384x32xf32, #tpu.memory_space<hbm>> -> memref<128x32xf32, #tpu.memory_space<hbm>>
    %dma_wait3A_1136 = arith.constant 0 : i32
    %dma_wait3A_1137 = tpu.memref_slice %arg4[%add3A_1090, %dma_wait3A_1136] : memref<16384x32xf32, #tpu.memory_space<hbm>> -> memref<128x32xf32, #tpu.memory_space<hbm>>
    %dma_wait3A_1138 = arith.constant 384 : i32
    %dma_wait3A_1139 = arith.constant 0 : i32
    %dma_wait3A_1140 = tpu.memref_slice %arg8[%dma_wait3A_1138, %dma_wait3A_1139] : memref<512x32xf32, #tpu.memory_space<vmem>> -> memref<128x32xf32, #tpu.memory_space<vmem>>
    tpu.wait_dma2 semaphore(%arg13 : memref<!tpu.dma_semaphore, #tpu.memory_space<semaphore_mem>>) src(%dma_wait3A_1140 : memref<128x32xf32, #tpu.memory_space<vmem>>) dst(%dma_wait3A_1137 : memref<128x32xf32, #tpu.memory_space<hbm>>)
    return
  }
}

</mosaic_0001>

<sc_bundles>
// kernel: kernel.3.cloned.1.call-start
scs
__scs_entry_jumppad:
0x0: {  	(pc) =	sbr.rel $0x88, $3  }
0x1: {  	(tag) =	ssettag $0x0;
	lr =	simm.s32 $0x1  }
0x2: {  	[smem:$0x3F9F] =	sst lr;
	_ =	strace $0xD0000000  }
0x3: {  	_ = 	snop  }
0x4: {  	_ = 	snop  }
0x5: {  	_ = 	snop  }
0x6: {  	_ = 	snop  }
0x7: {  	_ = 	snop  }
__scs_overlays_trampoline_lowered:
0x8: {  	[smem:$0x3FAE] =	sst s0  }
0x9: {  	[smem:$0x3FAF] =	sst s1  }
0xa: {  	[smem:$0x3FB0] =	sst s2  }
0xb: {  	[smem:$0x3FB1] =	sst s3  }
0xc: {  	[smem:$0x3FB2] =	sst s4  }
0xd: {  	[smem:$0x3FB3] =	sst s5  }
0xe: {  	[smem:$0x3FB4] =	sst s6  }
0xf: {  	[smem:$0x3FB5] =	sst s7  }
0x10: {  	[smem:$0x3FB6] =	sst s8  }
0x11: {  	[smem:$0x3FB7] =	sst s9;
	s0 =	simm.s32 @!p0 $0x0  }
0x12: {  	s1 =	sld [smem:$0x3F9D];
	s0 =	simm.s32 @p0 $0x1  }
0x13: {  	[smem:$0x3FB8] =	sst s0;
	s0 =	simm.s32 @!p1 $0x0  }
0x14: {  	s2 =	sld [smem:$0x3F9C];
	s0 =	simm.s32 @p1 $0x1  }
0x15: {  	[smem:$0x3FB9] =	sst s0;
	s0 =	simm.s32 @!p2 $0x0  }
0x16: {  	s3 =	sld [smem:$0x3FDB];
	s0 =	simm.s32 @p2 $0x1  }
0x17: {  	s4 =	simm.s32 $0x1BF5;
	[smem:$0x3FBB] =	sst s0  }
0x18: {  	s0 =	sld [smem:$0x3F9E];
	_ =	swait.ge [sflag:s4], $0x0  }
0x19: {  	s7 =	sld [smem:$0x3F9F]  }
0x1a: {  	s8 =	sadd.s32 $0xFFFFE003, lr  }
0x1b: {  	s9 =	sadd.s32 $0xFFFFFEF7, lr;
	s5 =	simm.s32 $0xFFFFFFFF;
	p2 =	slt.u32 s8, $0xFFFFF086  }
0x1c: {  	p1 =	slt.u32 s9, $0xF7A;
	s5 =	simm.s32 @!p2 $0x0  }
0x1d: {  	s5 =	simm.s32 @p1 $0x1;
	p0 =	seq.s32 s7, s2  }
0x1e: {  	s7 =	smul.u32 @!p0 $0xF7A, s2;
	p2 =	seq.s32 @!p0 s5, $0x0  }
0x1f: {  	s9 =	smul.u32 $0xF7A, s1;
	s8 =	simm.s32 @!p0 $0x1BF5;
	p2 =	por !p2, p0  }
0x20: {  	[sflag:s8] =	ssyncset.s32 @!p0 $0xFFFFF086;
	s6 =	sadd.s32 @!p0 s3, s7;
	s7 =	simm.s32 @!p0 $0x108  }
0x21: {  	s3 =	sadd.s32 s3, s9;
	s6 =	sadd.s32 @!p0 $0x88, s6;
	s7 =	simm.s32 @p2 $0x1082  }
0x22: {  	[simem:s7], [sflag:s8] =	dma.local @!p0 [hbm:s6], $0xF7A  }
0x23: {  	s9 =	sor.u32 $0xD0000000, s2;
	s6 =	simm.s32 $0x108;
	_ =	swait.ge @!p0 [sflag:s8], $0x0  }
0x24: {  	s3 =	sadd.s32 $0x88, s3;
	s6 =	simm.s32 @!p1 $0x1082;
	[sflag:s4] =	ssyncset.s32 $0xFFFFF086  }
0x25: {  	[simem:s6], [sflag:s4] =	dma.local [hbm:s3], $0xF7A  }
0x26: {  	[smem:$0x3F9F] =	sst s1;
	(tag) =	ssettag s2;
	_ =	strace s9  }
0x27: {  	s1 =	sld [smem:$0x3FAF]  }
0x28: {  	s2 =	sld [smem:$0x3FB0]  }
0x29: {  	s4 =	sld [smem:$0x3FB2]  }
0x2a: {  	p0 =	seq.s32 s5, $0x0;
	s5 =	sld [smem:$0x3FB3]  }
0x2b: {  	s6 =	sld [smem:$0x3FB4]  }
0x2c: {  	s7 =	sld [smem:$0x3FB5]  }
0x2d: {  	s3 =	simm.s32 $0x108;
	s8 =	sld [smem:$0x3FB6]  }
0x2e: {  	s3 =	simm.s32 @!p0 $0x1082;
	s9 =	sld [smem:$0x3FB7]  }
0x2f: {  	lr =	sadd.s32 s0, s3;
	s0 =	sld [smem:$0x3FAE]  }
0x30: {  	s3 =	sld [smem:$0x3FB1]  }
0x31: {  	[smem:$0x3FBA] =	sst s10  }
0x32: {  	s10 =	sld [smem:$0x3FB8];
	_ =	sdelay $0x3  }
0x33: {  	p0 =	seq.s32 s10, $0x1;
	s10 =	sld [smem:$0x3FBA];
	_ =	sdelay $0x3  }
0x34: {  	[smem:$0x3FBA] =	sst s10  }
0x35: {  	s10 =	sld [smem:$0x3FB9];
	_ =	sdelay $0x3  }
0x36: {  	p1 =	seq.s32 s10, $0x1;
	s10 =	sld [smem:$0x3FBA];
	_ =	sdelay $0x3  }
0x37: {  	[smem:$0x3FBA] =	sst s10  }
0x38: {  	s10 =	sld [smem:$0x3FBB]  }
0x39: {  	_ = 	snop;
	(pc) =	sbr.ind lr, $3  }
0x3a: {  	_ = 	snop  }
0x3b: {  	_ = 	snop  }
0x3c: {  	p2 =	seq.s32 s10, $0x1;
	s10 =	sld [smem:$0x3FBA]  }
0x3d: {  	_ =	shalt  }
0x3e: {  	_ =	shalt  }
0x3f: {  	_ =	shalt  }
0x40: {  	_ =	shalt  }
0x41: {  	_ =	shalt  }
0x42: {  	_ =	shalt  }
0x43: {  	_ =	shalt  }
0x44: {  	_ =	shalt  }
0x45: {  	_ =	shalt  }
0x46: {  	_ =	shalt  }
0x47: {  	_ =	shalt  }
0x48: {  	_ =	shalt  }
0x49: {  	_ =	shalt  }
0x4a: {  	_ =	shalt  }
0x4b: {  	_ =	shalt  }
0x4c: {  	_ =	shalt  }
0x4d: {  	_ =	shalt  }
0x4e: {  	_ =	shalt  }
0x4f: {  	_ =	shalt  }
0x50: {  	_ =	shalt  }
0x51: {  	_ =	shalt  }
0x52: {  	_ =	shalt  }
0x53: {  	_ =	shalt  }
0x54: {  	_ =	shalt  }
0x55: {  	_ =	shalt  }
0x56: {  	_ =	shalt  }
0x57: {  	_ =	shalt  }
0x58: {  	_ =	shalt  }
0x59: {  	_ =	shalt  }
0x5a: {  	_ =	shalt  }
0x5b: {  	_ =	shalt  }
0x5c: {  	_ =	shalt  }
0x5d: {  	_ =	shalt  }
0x5e: {  	_ =	shalt  }
0x5f: {  	_ =	shalt  }
0x60: {  	_ =	shalt  }
0x61: {  	_ =	shalt  }
0x62: {  	_ =	shalt  }
0x63: {  	_ =	shalt  }
0x64: {  	_ =	shalt  }
0x65: {  	_ =	shalt  }
0x66: {  	_ =	shalt  }
0x67: {  	_ =	shalt  }
0x68: {  	_ =	shalt  }
0x69: {  	_ =	shalt  }
0x6a: {  	_ =	shalt  }
0x6b: {  	_ =	shalt  }
0x6c: {  	_ =	shalt  }
0x6d: {  	_ =	shalt  }
0x6e: {  	_ =	shalt  }
0x6f: {  	_ =	shalt  }
0x70: {  	_ =	shalt  }
0x71: {  	_ =	shalt  }
0x72: {  	_ =	shalt  }
0x73: {  	_ =	shalt  }
0x74: {  	_ =	shalt  }
0x75: {  	_ =	shalt  }
0x76: {  	_ =	shalt  }
0x77: {  	_ =	shalt  }
0x78: {  	_ =	shalt  }
0x79: {  	_ =	shalt  }
0x7a: {  	_ =	shalt  }
0x7b: {  	_ =	shalt  }
0x7c: {  	_ =	shalt  }
0x7d: {  	_ =	shalt  }
0x7e: {  	_ =	shalt  }
0x7f: {  	_ =	shalt  }
0x80: {  	_ =	shalt  }
0x81: {  	_ =	shalt  }
0x82: {  	_ =	shalt  }
0x83: {  	_ =	shalt  }
0x84: {  	_ =	shalt  }
0x85: {  	_ =	shalt  }
0x86: {  	_ =	shalt  }
0x87: {  	_ =	shalt  }
.Lfunc_end0:
.L_simem_size_0:
called_computation_lowered:
.L_overlay_start_0:
0x88: {  	s2 =	sld [smem:$0x3FD9]  }
0x89: {  	s3 =	sld [smem:$0x3FFE];
	_ =	sdelay $0x1  }
0x8a: {  	s1 =	srdreg.scid  }
0x8b: {  	s0 =	sand.u32 $0x1, s1  }
0x8c: {  	s17 =	sshll.u32 s0, $0xA;
	s2 =	sadd.s32 s3, s2  }
0x8d: {  	s2 =	sadd.s32 s2, s17  }
0x8e: {  	[smem:$0x3FC6] =	sst s2  }
0x8f: {  	_ = 	snop  }
0x90: {  	s2 =	sld [smem:$0x3FC9]  }
0x91: {  	s18 =	sld [smem:$0x3FC8];
	(tm) =	ssettm $0x1  }
0x92: {  	s4 =	sld [smem:$0x3FFB];
	_ =	sdelay $0x3  }
0x93: {  	_ =	strace s4  }
0x94: {  	s4 =	sld [smem:$0x3FFC];
	_ =	sdelay $0x3  }
0x95: {  	_ =	strace s4  }
0x96: {  	s4 =	sld [smem:$0x3FFD];
	_ =	sdelay $0x3  }
0x97: {  	_ =	strace s4  }
0x98: {  	_ =	strace $0x8FFFFFFF  }
0x99: {  	s19 =	sld [smem:$0x3FDB];
	_ =	sdelay $0x1  }
0x9a: {  	s5 =	simm.s32 $_scs_section_size  }
0x9b: {  	s6 =	simm.s32 $_size__tile_overlayer_lowered;
	s7 =	simm.s32 $_tile_overlayer_lowered  }
0x9c: {  	s22 =	simm.s32 $0x1BFF;
	s21 =	sshll.u32 s7, $0x1;
	s4 =	sadd.s32 s5, s19  }
0x9d: {  	s8 =	simm.s32 $0x0;
	s20 =	sshll.u32 s6, $0x1;
	s6 =	sadd.s32 s21, s4  }
0x9e: {  	[timem:s8], [sflag:s22] =	dma.local [hbm:s6], s20  }
0x9f: {  	_ =	swait.ge [sflag:s22], s20  }
0xa0: {  	s5 =	ssub.s32 $0x0, s20;
	[sflag:s22] =	ssyncset.done $0x0  }
0xa1: {  	[sflag:s22] =	ssyncadd.s32 s5;
	_ =	sdelay $0x1  }
0xa2: {  	s23 =	simm.s32 $0x1B8B  }
0xa3: {  	_ =	swait.ge [sflag:s23], $0x1  }
0xa4: {  	[sflag:s23] =	ssyncset.done $0x0  }
0xa5: {  	s25 =	simm.s32 $0x1B8E;
	s24 =	sld [smem:$0x3FFE];
	[sflag:s23] =	ssyncadd.s32 $0xFFFFFFFF  }
0xa6: {  	s26 =	simm.s32 $execute0_lowered;
	[smem:$0x3FD2] =	sst s25  }
0xa7: {  	s6 =	sshll.u32 s26, $0x1;
	_ =	strace $0x80000046;
	[dreg:$0x1] =	wrdreg $0xFFFFFFFF  }
0xa8: {  	s28 =	simm.s32 $_size_execute0_lowered;
	s4 =	sadd.s32 s4, s6;
	[dreg:$0x0] =	wrdreg $0x0  }
0xa9: {  	s6 =	sshll.u32 s28, $0x1;
	[dreg:$0x2] =	wrdreg s4  }
0xaa: {  	[dreg:$0x3] =	wrdreg s6  }
0xab: {  	[dreg:$0x4] =	wrdreg $0xC0  }
0xac: {  	_ =	task [dreg:s8], $0x5FFFF  }
0xad: {  	[dreg:$0x1] =	wrdreg $0xFFFFFFFF  }
0xae: {  	[dreg:$0x0] =	wrdreg $0x60  }
0xaf: {  	[dreg:$0x2] =	wrdreg s2  }
0xb0: {  	[dreg:$0x3] =	wrdreg s18  }
0xb1: {  	[dreg:$0x4] =	wrdreg s24  }
0xb2: {  	[dreg:$0x5] =	wrdreg $0x4000  }
0xb3: {  	[dreg:$0x6] =	wrdreg $0x9  }
0xb4: {  	_ =	task.clear_ibuf [dreg:s8], $0x7FFFF;
	_ =	strace $0x90000046  }
0xb5: {  	s29 =	simm.s32 $0x9;
	_ =	strace $0x80000048  }
0xb6: {  	_ =	swait.ge [sflag:s29], $0x1  }
0xb7: {  	[sflag:s29] =	ssyncadd.s32 $0xFFFFFFFF  }
0xb8: {  	_ =	strace $0x90000048  }
0xb9: {  	_ =	sfence  }
0xba: {  	s30 =	sld [smem:$0x0];
	_ =	sdelay $0x2  }
0xbb: {  	s31 =	sshll.u32 s1, $0xD;
	s1 =	sshrl.u32 s1, $0x2  }
0xbc: {  	s3 =	sand.u32 $0x4000, s31;
	s1 =	sadd.s32 s1, s30  }
0xbd: {  	s0 =	sor.u32 s3, s0;
	s1 =	sshll.u32 s1, $0x11  }
0xbe: {  	s0 =	sor.u32 s1, s0  }
0xbf: {  	s0 =	sadd.s32 $0x8F2B, s0  }
0xc0: {  	[sflag:s0] =	ssyncadd.remote.s32 $0x1  }
0xc1: {  	_ =	sfence.sel $0xFFFF  }
0xc2: {  	[dreg:$0x0] =	wrdreg $0xFFFFFFFF;
	(pc) =	sbr.abs _section_cstart, $3  }
0xc3: {  	[dreg:$0x1] =	wrdreg $0xFFFFFFFF  }
0xc4: {  	_ =	task.clear_ibuf [dreg:s8], $0x2FFFF;
	_ =	strace $0x9FFFFFFF  }
0xc5: {  	(tm) =	ssettm $0x7FFFFFFF  }
tec
execute0_lowered:
.L_overlay_start_1:
0x0: {  	(tag) =	ssettag $0x1  }
0x1: {  	s6 =	rddreg [dreg:$0x0]  }
0x2: {  	s1 =	rddreg [dreg:$0x1]  }
0x3: {  	s5 =	rddreg [dreg:$0x2]  }
0x4: {  	s3 =	rddreg [dreg:$0x3]  }
0x5: {  	s0 =	rddreg [dreg:$0x4];
	s7 =	srdreg.scid  }
0x6: {  	s4 =	simm.s32 $0x0;
	s2 =	stileid.u32;
	s13 =	simm.s32 $0x6  }
0x7: {  	s14 =	simm.s32 $0x80;
	s15 =	simm.s32 $0x200;
	s16 =	simm.s32 $0x4A0  }
0x8: {  	s17 =	simm.s32 $0x280;
	s18 =	simm.s32 $0x44A0;
	s19 =	simm.s32 $0x1  }
0x9: {  	s20 =	simm.s32 $0x300;
	s21 =	simm.s32 $0x84A0;
	s22 =	simm.s32 $0x2  }
0xa: {  	s23 =	simm.s32 $0x380;
	s24 =	simm.s32 $0xC4A0;
	s28 =	simm.s32 $0x5  }
0xb: {  	s7 =	sand.u32 $0x1, s7;
	[smem:$0x7FF] =	sst s4;
	s26 =	smul.u32 $0xA00, s2  }
0xc: {  	s8 =	sshll.u32 s2, $0xA;
	s30 =	sshll.u32 s2, $0x6;
	s25 =	smul.u32 $0x5, s2  }
0xd: {  	s9 =	sshll.u32 s7, $0x9;
	s7 =	ssub.s32 $0x2, s7;
	_ =	strace $0x80000047  }
0xe: {  	s8 =	sor.u32 s9, s8;
	s11 =	sshrl.u32 s7, $0x1;
	s29 =	sshrl.u32 s26, $0x2  }
0xf: {  	v0 =	vmov s25;
	s25 =	simm.s32 $0x3;
	s26 =	simm.s32 $0x4;
	s10 =	sshll.u32 s8, $0x4  }
0x10: {  	s11 =	ssub.s32 s7, s11;
	s12 =	sadd.s32 s29, s3;
	s31 =	sshrl.u32 s8, $0x3  }
0x11: {  	s10 =	sadd.s32 s10, s5;
	s5 =	sor.u32 $0x1C06, s30;
	s6 =	sadd.s32 s6, s31  }
0x12: {  	s11 =	smax.u32 s11, $0x1;
	s12 =	sshrl.u32 s12, $0x3;
	s7 =	sadd.s32 $0x400, s10  }
0x13: {  	v1 =	vimm.s32 $0x0;
	s8 =	sadd.s32 $0xC00, s10;
	s9 =	sadd.s32 $0x1400, s10;
	s10 =	sadd.s32 $0x1C00, s10  }
.LBB2_1:
0x14: {  	[spmem:s12], [sflag:s5] =	dma.local [hbm:s1], $0x50  }
0x15: {  	_ =	swait.ge [sflag:s13], $0x50  }
0x16: {  	[sflag:s13] =	ssyncset.done $0x0  }
0x17: {  	[sflag:s13] =	ssyncadd.s32 $0xFFFFFFB0  }
0x18: {  	[tilespmem:s4], [sflag:$0x6] =	stream.linear.gather [hbm4b:s6+s4], $0x200, $0x38;
	[tilespmem:$0x104A0] =	vst v63  }
0x19: {  	_ =	swait.ge [sflag:s13], $0x200  }
0x1a: {  	[sflag:s13] =	ssyncset.done $0x0  }
0x1b: {  	[sflag:s13] =	ssyncadd.s32 $0xFFFFFE00  }
0x1c: {  	v2 =	vld [tilespmem:$0x0]  }
0x1d: {  	v3 =	vld [tilespmem:$0x10]  }
0x1e: {  	v4 =	vld [tilespmem:$0x20]  }
0x1f: {  	v6 =	vld [tilespmem:$0x30];
	_ =	sdelay $0x1  }
0x20: {  	v22 =	vld [tilespmem:$0x50];
	vm0 =	veq.s32 v2, $0xC8;
	vm6 =	veq.s32 v2, $0xFA  }
0x21: {  	v9 =	vld [tilespmem:$0x60];
	vm7 =	veq.s32 v3, $0xC8;
	vm1 =	veq.s32 v2, $0x12C;
	vm8 =	veq.s32 v3, $0xFA  }
0x22: {  	vm9 =	veq.s32 v3, $0x12C;
	vm10 =	veq.s32 v4, $0xC8;
	vm11 =	veq.s32 v4, $0xFA  }
0x23: {  	vm12 =	veq.s32 v4, $0x12C;
	vm13 =	veq.s32 v6, $0xC8;
	vm14 =	veq.s32 v6, $0xFA  }
0x24: {  	vm4 =	veq.s32 v6, $0x12C;
	v5 =	vsel vm0, $0x1, v1;
	v2 =	vsel vm7, $0x1, v1  }
0x25: {  	v3 =	vld [tilespmem:$0x40];
	v7 =	vsel vm10, $0x1, v1;
	v8 =	vsel vm13, $0x1, v1;
	vm7 =	veq.s32 v22, $0xC8  }
0x26: {  	vm10 =	veq.s32 v9, $0xC8;
	vm13 =	veq.s32 v9, $0x12C;
	v5 =	vsel vm6, $0x2, v5  }
0x27: {  	v2 =	vsel vm8, $0x2, v2;
	v7 =	vsel vm11, $0x2, v7;
	v8 =	vsel vm14, $0x2, v8  }
0x28: {  	v10 =	vsel vm7, $0x1, v1;
	vm8 =	veq.s32 v22, $0xFA;
	v25 =	vsel vm10, $0x1, v1  }
0x29: {  	vm11 =	veq.s32 v9, $0xFA;
	v5 =	vsel vm1, $0x3, v5;
	v2 =	vsel vm9, $0x3, v2  }
0x2a: {  	vm15 =	veq.s32 v3, $0xC8;
	vm5 =	veq.s32 v3, $0xFA;
	vm6 =	veq.s32 v3, $0x12C;
	v3 =	vld [tilespmem:$0x70]  }
0x2b: {  	v7 =	vsel vm12, $0x3, v7;
	v8 =	vsel vm4, $0x3, v8;
	v24 =	vsel vm8, $0x2, v10  }
0x2c: {  	vm9 =	veq.s32 v22, $0x12C;
	v4 =	vsel vm11, $0x2, v25;
	v5 =	vadd.s32 v0, v5  }
0x2d: {  	v2 =	vadd.s32 v0, v2;
	v7 =	vadd.s32 v0, v7;
	v8 =	vadd.s32 v0, v8;
	[tilespmem:$0x200] =	vst v5  }
0x2e: {  	v4 =	vsel vm13, $0x3, v4;
	[tilespmem:$0x210] =	vst v2;
	v2 =	vsel vm9, $0x3, v24;
	v23 =	vsel vm15, $0x1, v1  }
0x2f: {  	[tilespmem:$0x220] =	vst v7;
	v2 =	vadd.s32 v0, v2;
	v6 =	vsel vm5, $0x2, v23;
	vm12 =	veq.s32 v3, $0xC8  }
0x30: {  	[tilespmem:$0x250] =	vst v2;
	v2 =	vadd.s32 v0, v4;
	vm14 =	veq.s32 v3, $0xFA;
	v26 =	vsel vm12, $0x1, v1  }
0x31: {  	[tilespmem:$0x230] =	vst v8;
	v6 =	vsel vm6, $0x3, v6;
	vm15 =	veq.s32 v3, $0x12C;
	v5 =	vsel vm14, $0x2, v26  }
0x32: {  	[tilespmem:$0x260] =	vst v2;
	v6 =	vadd.s32 v0, v6;
	v3 =	vsel vm15, $0x3, v5  }
0x33: {  	[tilespmem:$0x240] =	vst v6;
	v2 =	vadd.s32 v0, v3  }
0x34: {  	[tilespmem:$0x270] =	vst v2  }
0x35: {  	[tilespmem:s16], [sflag:$0x1] =	stream.indirect.gather [spmem:s3], $0x20, s15, s14, $0xb8;
	[tilespmem:$0x104A0] =	vst v63  }
0x36: {  	v2 =	vld [tilespmem:$0x80]  }
0x37: {  	v3 =	vld [tilespmem:$0x90]  }
0x38: {  	v27 =	vld [tilespmem:$0xA0]  }
0x39: {  	v29 =	vld [tilespmem:$0xB0];
	_ =	sdelay $0x1  }
0x3a: {  	v33 =	vld [tilespmem:$0xE0];
	vm4 =	veq.s32 v2, $0xC8;
	vm5 =	veq.s32 v2, $0xFA  }
0x3b: {  	vm6 =	veq.s32 v3, $0xC8;
	vm7 =	veq.s32 v2, $0x12C;
	vm8 =	veq.s32 v3, $0xFA  }
0x3c: {  	v31 =	vld [tilespmem:$0xD0];
	vm9 =	veq.s32 v3, $0x12C;
	vm10 =	veq.s32 v27, $0xC8;
	vm11 =	veq.s32 v27, $0xFA  }
0x3d: {  	vm12 =	veq.s32 v27, $0x12C;
	vm13 =	veq.s32 v29, $0xC8;
	vm14 =	veq.s32 v29, $0xFA  }
0x3e: {  	v28 =	vsel vm4, $0x1, v1;
	v2 =	vsel vm6, $0x1, v1;
	v30 =	vsel vm10, $0x1, v1  }
0x3f: {  	v3 =	vld [tilespmem:$0xC0];
	v32 =	vsel vm13, $0x1, v1;
	vm4 =	veq.s32 v29, $0x12C;
	vm10 =	veq.s32 v33, $0xC8  }
0x40: {  	vm13 =	veq.s32 v33, $0x12C;
	v5 =	vsel vm5, $0x2, v28;
	v2 =	vsel vm8, $0x2, v2  }
0x41: {  	v7 =	vsel vm11, $0x2, v30;
	v8 =	vsel vm14, $0x2, v32;
	vm8 =	veq.s32 v31, $0xFA  }
0x42: {  	v37 =	vsel vm10, $0x1, v1;
	vm11 =	veq.s32 v33, $0xFA;
	v5 =	vsel vm7, $0x3, v5  }
0x43: {  	v2 =	vsel vm9, $0x3, v2;
	v7 =	vsel vm12, $0x3, v7;
	v8 =	vsel vm4, $0x3, v8  }
0x44: {  	vm15 =	veq.s32 v3, $0xC8;
	vm5 =	veq.s32 v3, $0xFA;
	vm6 =	veq.s32 v3, $0x12C;
	v3 =	vld [tilespmem:$0xF0]  }
0x45: {  	vm7 =	veq.s32 v31, $0xC8;
	vm9 =	veq.s32 v31, $0x12C;
	v4 =	vsel vm11, $0x2, v37  }
0x46: {  	v5 =	vadd.s32 v0, v5;
	v2 =	vadd.s32 v0, v2;
	v35 =	vsel vm7, $0x1, v1  }
0x47: {  	v7 =	vadd.s32 v0, v7;
	v8 =	vadd.s32 v0, v8;
	[tilespmem:$0x280] =	vst v5;
	v36 =	vsel vm8, $0x2, v35  }
0x48: {  	v4 =	vsel vm13, $0x3, v4;
	[tilespmem:$0x290] =	vst v2;
	v34 =	vsel vm15, $0x1, v1;
	v2 =	vsel vm9, $0x3, v36  }
0x49: {  	[tilespmem:$0x2A0] =	vst v7;
	v6 =	vsel vm5, $0x2, v34;
	v2 =	vadd.s32 v0, v2;
	vm12 =	veq.s32 v3, $0xC8  }
0x4a: {  	[tilespmem:$0x2B0] =	vst v8;
	v6 =	vsel vm6, $0x3, v6;
	vm14 =	veq.s32 v3, $0xFA;
	v38 =	vsel vm12, $0x1, v1  }
0x4b: {  	[tilespmem:$0x2D0] =	vst v2;
	v2 =	vadd.s32 v0, v4;
	vm15 =	veq.s32 v3, $0x12C;
	v5 =	vsel vm14, $0x2, v38  }
0x4c: {  	v6 =	vadd.s32 v0, v6;
	[tilespmem:$0x2E0] =	vst v2;
	v3 =	vsel vm15, $0x3, v5  }
0x4d: {  	[tilespmem:$0x2C0] =	vst v6;
	v2 =	vadd.s32 v0, v3  }
0x4e: {  	[tilespmem:$0x2F0] =	vst v2  }
0x4f: {  	[tilespmem:s18], [sflag:$0x2] =	stream.indirect.gather [spmem:s3], $0x20, s17, s14, $0xb8;
	[tilespmem:$0x104A0] =	vst v63  }
0x50: {  	_ =	swait.ge [sflag:s19], $0x1000  }
0x51: {  	[sflag:s19] =	ssyncset.done $0x0  }
0x52: {  	[sflag:s19] =	ssyncadd.s32 $0xFFFFF000  }
0x53: {  	[hbm4b:s7+s4] =	stream.linear.scatter [tilespmem:s16], [sflag:$0x5], $0x4000, $0x38;
	[tilespmem:$0x104A0] =	vst v63  }
0x54: {  	v2 =	vld [tilespmem:$0x100]  }
0x55: {  	v3 =	vld [tilespmem:$0x110]  }
0x56: {  	v39 =	vld [tilespmem:$0x120]  }
0x57: {  	v41 =	vld [tilespmem:$0x130];
	_ =	sdelay $0x1  }
0x58: {  	v45 =	vld [tilespmem:$0x160];
	vm4 =	veq.s32 v2, $0xC8;
	vm5 =	veq.s32 v2, $0xFA  }
0x59: {  	vm6 =	veq.s32 v3, $0xC8;
	vm7 =	veq.s32 v2, $0x12C;
	vm8 =	veq.s32 v3, $0xFA  }
0x5a: {  	v43 =	vld [tilespmem:$0x150];
	vm9 =	veq.s32 v3, $0x12C;
	vm10 =	veq.s32 v39, $0xC8;
	vm11 =	veq.s32 v39, $0xFA  }
0x5b: {  	vm12 =	veq.s32 v39, $0x12C;
	vm13 =	veq.s32 v41, $0xC8;
	vm14 =	veq.s32 v41, $0xFA  }
0x5c: {  	v40 =	vsel vm4, $0x1, v1;
	v2 =	vsel vm6, $0x1, v1;
	v42 =	vsel vm10, $0x1, v1  }
0x5d: {  	v3 =	vld [tilespmem:$0x140];
	v44 =	vsel vm13, $0x1, v1;
	vm4 =	veq.s32 v41, $0x12C;
	vm10 =	veq.s32 v45, $0xC8  }
0x5e: {  	vm13 =	veq.s32 v45, $0x12C;
	v5 =	vsel vm5, $0x2, v40;
	v2 =	vsel vm8, $0x2, v2  }
0x5f: {  	v7 =	vsel vm11, $0x2, v42;
	v8 =	vsel vm14, $0x2, v44;
	vm8 =	veq.s32 v43, $0xFA  }
0x60: {  	v49 =	vsel vm10, $0x1, v1;
	vm11 =	veq.s32 v45, $0xFA;
	v5 =	vsel vm7, $0x3, v5  }
0x61: {  	v2 =	vsel vm9, $0x3, v2;
	v7 =	vsel vm12, $0x3, v7;
	v8 =	vsel vm4, $0x3, v8  }
0x62: {  	vm15 =	veq.s32 v3, $0xC8;
	vm5 =	veq.s32 v3, $0xFA;
	vm6 =	veq.s32 v3, $0x12C;
	v3 =	vld [tilespmem:$0x170]  }
0x63: {  	vm7 =	veq.s32 v43, $0xC8;
	vm9 =	veq.s32 v43, $0x12C;
	v4 =	vsel vm11, $0x2, v49  }
0x64: {  	v5 =	vadd.s32 v0, v5;
	v2 =	vadd.s32 v0, v2;
	v47 =	vsel vm7, $0x1, v1  }
0x65: {  	v7 =	vadd.s32 v0, v7;
	v8 =	vadd.s32 v0, v8;
	[tilespmem:$0x300] =	vst v5;
	v48 =	vsel vm8, $0x2, v47  }
0x66: {  	v4 =	vsel vm13, $0x3, v4;
	[tilespmem:$0x310] =	vst v2;
	v46 =	vsel vm15, $0x1, v1;
	v2 =	vsel vm9, $0x3, v48  }
0x67: {  	[tilespmem:$0x320] =	vst v7;
	v6 =	vsel vm5, $0x2, v46;
	v2 =	vadd.s32 v0, v2;
	vm12 =	veq.s32 v3, $0xC8  }
0x68: {  	[tilespmem:$0x330] =	vst v8;
	v6 =	vsel vm6, $0x3, v6;
	vm14 =	veq.s32 v3, $0xFA;
	v50 =	vsel vm12, $0x1, v1  }
0x69: {  	[tilespmem:$0x350] =	vst v2;
	v2 =	vadd.s32 v0, v4;
	vm15 =	veq.s32 v3, $0x12C;
	v5 =	vsel vm14, $0x2, v50  }
0x6a: {  	v6 =	vadd.s32 v0, v6;
	[tilespmem:$0x360] =	vst v2;
	v3 =	vsel vm15, $0x3, v5  }
0x6b: {  	[tilespmem:$0x340] =	vst v6;
	v2 =	vadd.s32 v0, v3  }
0x6c: {  	[tilespmem:$0x370] =	vst v2  }
0x6d: {  	[tilespmem:s21], [sflag:$0x3] =	stream.indirect.gather [spmem:s3], $0x20, s20, s14, $0xb8;
	[tilespmem:$0x104A0] =	vst v63  }
0x6e: {  	_ =	swait.ge [sflag:s22], $0x1000  }
0x6f: {  	[sflag:s22] =	ssyncset.done $0x0  }
0x70: {  	[sflag:s22] =	ssyncadd.s32 $0xFFFFF000  }
0x71: {  	[hbm4b:s8+s4] =	stream.linear.scatter [tilespmem:s18], [sflag:$0x5], $0x4000, $0x38;
	[tilespmem:$0x104A0] =	vst v63  }
0x72: {  	v2 =	vld [tilespmem:$0x180]  }
0x73: {  	v3 =	vld [tilespmem:$0x190]  }
0x74: {  	v51 =	vld [tilespmem:$0x1A0]  }
0x75: {  	v53 =	vld [tilespmem:$0x1B0]  }
0x76: {  	v54 =	vld [tilespmem:$0x1C0]  }
0x77: {  	v55 =	vld [tilespmem:$0x1D0];
	vm4 =	veq.s32 v2, $0xC8;
	vm5 =	veq.s32 v2, $0xFA  }
0x78: {  	v57 =	vld [tilespmem:$0x1E0];
	vm6 =	veq.s32 v3, $0xC8;
	vm7 =	veq.s32 v2, $0x12C;
	vm8 =	veq.s32 v3, $0xFA  }
0x79: {  	v60 =	vld [tilespmem:$0x1F0];
	vm9 =	veq.s32 v51, $0xC8;
	vm10 =	veq.s32 v3, $0x12C;
	vm11 =	veq.s32 v51, $0xFA  }
0x7a: {  	vm12 =	veq.s32 v53, $0xC8;
	vm13 =	veq.s32 v51, $0x12C;
	vm14 =	veq.s32 v53, $0xFA  }
0x7b: {  	vm15 =	veq.s32 v54, $0xC8;
	v52 =	vsel vm4, $0x1, v1;
	v2 =	vsel vm6, $0x1, v1  }
0x7c: {  	v3 =	vsel vm9, $0x1, v1;
	v56 =	vsel vm12, $0x1, v1;
	vm4 =	veq.s32 v53, $0x12C  }
0x7d: {  	v58 =	vsel vm15, $0x1, v1;
	vm6 =	veq.s32 v55, $0xC8;
	vm9 =	veq.s32 v55, $0x12C  }
0x7e: {  	vm12 =	veq.s32 v57, $0x12C;
	vm15 =	veq.s32 v60, $0x12C;
	v5 =	vsel vm5, $0x2, v52  }
0x7f: {  	v2 =	vsel vm8, $0x2, v2;
	v3 =	vsel vm11, $0x2, v3;
	v4 =	vsel vm14, $0x2, v56  }
0x80: {  	vm5 =	veq.s32 v54, $0xFA;
	v59 =	vsel vm6, $0x1, v1;
	vm8 =	veq.s32 v55, $0xFA  }
0x81: {  	vm11 =	veq.s32 v57, $0xFA;
	vm14 =	veq.s32 v60, $0xFA;
	v5 =	vsel vm7, $0x3, v5  }
0x82: {  	v2 =	vsel vm10, $0x3, v2;
	v3 =	vsel vm13, $0x3, v3;
	v4 =	vsel vm4, $0x3, v4  }
0x83: {  	v6 =	vsel vm5, $0x2, v58;
	vm7 =	veq.s32 v54, $0x12C;
	v5 =	vadd.s32 v0, v5  }
0x84: {  	v7 =	vsel vm8, $0x2, v59;
	vm10 =	veq.s32 v57, $0xC8;
	v2 =	vadd.s32 v0, v2;
	[tilespmem:$0x380] =	vst v5  }
0x85: {  	vm13 =	veq.s32 v60, $0xC8;
	v6 =	vsel vm7, $0x3, v6;
	v3 =	vadd.s32 v0, v3;
	[tilespmem:$0x390] =	vst v2  }
0x86: {  	v7 =	vsel vm9, $0x3, v7;
	v61 =	vsel vm10, $0x1, v1;
	[tilespmem:$0x3A0] =	vst v3;
	v3 =	vadd.s32 v0, v4  }
0x87: {  	v62 =	vsel vm13, $0x1, v1;
	v2 =	vsel vm11, $0x2, v61;
	[tilespmem:$0x3B0] =	vst v3;
	v3 =	vadd.s32 v0, v6  }
0x88: {  	v63 =	vadd.s32 v0, v7;
	v2 =	vsel vm12, $0x3, v2;
	[tilespmem:$0x3C0] =	vst v3;
	v3 =	vsel vm14, $0x2, v62  }
0x89: {  	[tilespmem:$0x3D0] =	vst v63;
	v2 =	vadd.s32 v0, v2;
	v3 =	vsel vm15, $0x3, v3  }
0x8a: {  	[tilespmem:$0x3E0] =	vst v2;
	v2 =	vadd.s32 v0, v3  }
0x8b: {  	[tilespmem:$0x3F0] =	vst v2  }
0x8c: {  	[tilespmem:s24], [sflag:$0x4] =	stream.indirect.gather [spmem:s3], $0x20, s23, s14, $0xb8;
	[tilespmem:$0x104A0] =	vst v63  }
0x8d: {  	_ =	swait.ge [sflag:s25], $0x1000  }
0x8e: {  	[sflag:s25] =	ssyncset.done $0x0  }
0x8f: {  	[sflag:s25] =	ssyncadd.s32 $0xFFFFF000  }
0x90: {  	[hbm4b:s9+s4] =	stream.linear.scatter [tilespmem:s21], [sflag:$0x5], $0x4000, $0x38;
	[tilespmem:$0x104A0] =	vst v63  }
0x91: {  	_ =	swait.ge [sflag:s26], $0x1000  }
0x92: {  	[sflag:s26] =	ssyncset.done $0x0  }
0x93: {  	[sflag:s26] =	ssyncadd.s32 $0xFFFFF000  }
0x94: {  	[hbm4b:s10+s4] =	stream.linear.scatter [tilespmem:s24], [sflag:$0x5], $0x4000, $0x38;
	[tilespmem:$0x104A0] =	vst v63  }
0x95: {  	_ =	swait.ge [sflag:s28], $0x4000  }
0x96: {  	[sflag:s28] =	ssyncset.done $0x0  }
0x97: {  	[sflag:s28] =	ssyncadd.s32 $0xFFFFC000  }
0x98: {  	_ =	swait.ge [sflag:s28], $0x4000  }
0x99: {  	[sflag:s28] =	ssyncset.done $0x0  }
0x9a: {  	[sflag:s28] =	ssyncadd.s32 $0xFFFFC000  }
0x9b: {  	p0 =	sne.s32 s11, $0x1;
	_ =	swait.ge [sflag:s28], $0x4000  }
.Ltmp0:
0x9c: {  	[sflag:s28] =	ssyncset.done $0x0;
	(pc) =	sbr.rel @p0 .LBB2_1-.Ltmp0, $4  }
0x9d: {  	[sflag:s28] =	ssyncadd.s32 $0xFFFFC000  }
0x9e: {  	_ =	swait.ge [sflag:s28], $0x4000  }
0x9f: {  	[sflag:s28] =	ssyncset.done $0x0  }
0xa0: {  	s11 =	sadd.s32 $0xFFFFFFFF, s11;
	[sflag:s28] =	ssyncadd.s32 $0xFFFFC000  }
0xa1: {  	_ =	sfence.sel $0x180000  }
0xa2: {  	[bflag:$0x0] =	sbarrier.arrive $0xFFFF  }
0xa3: {  	p0 =	sne.s32 s2, $0x0;
	_ =	strace $0x90000047  }
0xa4: {  	s0 =	sadd.s32 @!p0 $0x100000, s0;
	[bflag:$0x2] =	sbarrier.arrive $0xFFFF  }
0xa5: {  	[sflag:s0] =	ssyncadd.tile.s32 @!p0 $0x1;
	_ =	shalt  }
.Lfunc_end2:
_tile_overlayer_lowered:
.L_overlay_start_2:
0xa6: {  	(tag) =	ssettag $0x2  }
0xa7: {  	s0 =	rddreg [dreg:$0x0];
	s2 =	stileid.u32  }
0xa8: {  	s1 =	rddreg [dreg:$0x1];
	p0 =	sne.s32 s2, $0x0  }
0xa9: {  	s3 =	rddreg [dreg:$0x2];
	[bflag:$0x3] =	sbarrier.arrive $0xFFFF;
	s2 =	simm.s32 @!p0 $0x1C06  }
0xaa: {  	[timem:s3], [sflag:s2] =	dma.local @!p0 [hbm:s0], s1  }
0xab: {  	s0 =	simm.s32 @!p0 $0x6  }
0xac: {  	_ =	swait.ge @!p0 [sflag:s0], s1  }
0xad: {  	s1 =	ssub.s32 @!p0 $0x0, s1;
	[sflag:s0] =	ssyncset.done @!p0 $0x0  }
0xae: {  	[sflag:s0] =	ssyncadd.s32 @!p0 s1  }
0xaf: {  	[bflag:$0x3] =	sbarrier.arrive $0xFFFF  }
0xb0: {  	_ =	shalt  }

</sc_bundles>
